<compile_context>
chip_gen: v7x
topology: tpu7x:2x2x1
jax: 0.10.2.dev20260603
libtpu: 0.0.44.dev20260713+nightly
codegen_flags: <defaults>
</compile_context>

<pallas_src>
import functools

import jax
import jax.numpy as jnp
from jax import lax
from jax.experimental import pallas as pl
from jax.experimental.pallas import tpu as pltpu
from jax.experimental.pallas import tpu_sc as plsc

_B, _C, _H, _W = 16, 3, 512, 512
_NW = 32
_BSC = 2
_BTC = _B - _BSC
_RW = _BSC * _H // _NW
_SPB = _H // _RW
_R = 16
_NCHUNK = _RW // _R
_P = _R * _W
_L = 16


@functools.partial(
    pl.kernel,
    out_type=jax.ShapeDtypeStruct((_BSC, 1, _H, _W), jnp.float32),
    mesh=plsc.VectorSubcoreMesh(core_axis_name="c", subcore_axis_name="s"),
    scratch_types=[
        pltpu.VMEM((_C * _R, _W), jnp.float32),
        pltpu.VMEM((_C * _R, _W), jnp.float32),
        pltpu.VMEM((_R, _W), jnp.int32),
        pltpu.VMEM((_R, _W), jnp.int32),
        pltpu.VMEM((_R, _W), jnp.float32),
        pltpu.VMEM((_R, _W), jnp.float32),
        pltpu.SemaphoreType.DMA,
        pltpu.SemaphoreType.DMA,
        pltpu.SemaphoreType.DMA,
        pltpu.SemaphoreType.DMA,
    ],
    compiler_params=pltpu.CompilerParams(needs_layout_passes=False),
)
def _mosaic_sc(x_hbm, m_hbm, out_hbm, xb0, xb1, mb0, mb1, ob0, ob1,
               isem0, isem1, osem0, osem1):
    wid = lax.axis_index("s") * 2 + lax.axis_index("c")
    b = wid // _SPB
    row0 = (wid % _SPB) * _RW

    xbuf, mbuf, obuf = (xb0, xb1), (mb0, mb1), (ob0, ob1)
    isem, osem = (isem0, isem1), (osem0, osem1)

    def issue_in(t):
        slot = t % 2
        r0 = row0 + t * _R
        descs = [
            pltpu.async_copy(x_hbm.at[b, ch, pl.ds(r0, _R), :],
                             xbuf[slot].at[pl.ds(ch * _R, _R), :], isem[slot])
            for ch in range(_C)
        ]
        descs.append(
            pltpu.async_copy(m_hbm.at[b, 0, pl.ds(r0, _R), :],
                             mbuf[slot], isem[slot]))
        return descs

    in_descs = [issue_in(0), None]
    out_descs = [None, None]
    for t in range(_NCHUNK):
        slot = t % 2
        if t + 1 < _NCHUNK:
            in_descs[(t + 1) % 2] = issue_in(t + 1)
        for d in in_descs[slot]:
            d.wait()
        if out_descs[slot] is not None:
            out_descs[slot].wait()

        xb, mb, ob = xbuf[slot], mbuf[slot], obuf[slot]

        @plsc.parallel_loop(0, _P, step=_L, unroll=8)
        def body(i):
            row = i >> 9
            col = i & (_W - 1)
            m = mb[row, pl.ds(col, _L)]
            colv = col + lax.iota(jnp.int32, _L)
            rowv = (m << 4) + row
            ob[row, pl.ds(col, _L)] = plsc.load_gather(xb, [rowv, colv])

        out_descs[slot] = pltpu.async_copy(
            ob, out_hbm.at[b, 0, pl.ds(row0 + t * _R, _R), :], osem[slot])
    out_descs[0].wait()
    out_descs[1].wait()


_RB = 256


def _tc_body(x_ref, m_ref, o_ref):
    xx = x_ref[0]
    m = m_ref[0, 0]
    o_ref[0, 0] = jnp.where(m == 0, xx[0], jnp.where(m == 1, xx[1], xx[2]))


_mosaic_tc = pl.pallas_call(
    _tc_body,
    grid=(_BTC, _H // _RB),
    in_specs=[
        pl.BlockSpec((1, _C, _RB, _W), lambda i, j: (_BSC + i, 0, j, 0)),
        pl.BlockSpec((1, 1, _RB, _W), lambda i, j: (_BSC + i, 0, j, 0)),
    ],
    out_specs=pl.BlockSpec((1, 1, _RB, _W), lambda i, j: (_BSC + i, 0, j, 0)),
    out_shape=jax.ShapeDtypeStruct((_B, 1, _H, _W), jnp.float32),
)


def kernel(x, bayer_mask):
    m = bayer_mask.astype(jnp.int32)
    tc = _mosaic_tc(x, m)
    sc = _mosaic_sc(x, m)
    return lax.dynamic_update_slice(tc, sc, (0, 0, 0, 0))

# --- scband reference (transcript-rebuilt; emitter-appended) ---
"""Pipeline reference for scband-mosaic-33801392619690 (READ-ONLY COPY).

The authoritative reference and input builder live on the scoring server;
editing this copy changes nothing except your own understanding.
"""

import jax, jax.numpy as jnp
import numpy as np

def setup_inputs(seed: int = 0) -> dict:
    key = jax.random.key(seed)
    k1, k2 = jax.random.split(key)
    x = jax.random.normal(k1, (16, 3, 512, 512), dtype=jnp.float32)
    bayer_mask = jax.random.randint(k2, (16, 1, 512, 512), 0, 3, dtype=jnp.int64 if jax.config.jax_enable_x64 else jnp.int32)
    return {"x": x, "bayer_mask": bayer_mask}

def reference(x, bayer_mask):
    B, C, H, W = x.shape
    # torch.gather(x, dim=1, index=bayer_mask) with index shape (B,1,H,W)
    out = jnp.take_along_axis(x, bayer_mask, axis=1)
    return out.reshape(B, 1, H, W)

if __name__ == "__main__":
    import jax
    _d = setup_inputs()
    print(jax.jit(kernel)(*tuple(_d.values())))

</pallas_src>

<mosaic_0001>
#map = affine_map<(d0, d1) -> (0, 0, 0, 0)>
module attributes {stable_mosaic.version = 14 : i64} {
  func.func @_mosaic_sc(%arg0: i32, %arg1: i32, %arg2: memref<16x3x512x512xf32, #tpu.memory_space<hbm>>, %arg3: memref<16x1x512x512xi32, #tpu.memory_space<hbm>>, %arg4: memref<2x1x512x512xf32, #tpu.memory_space<hbm>>, %arg5: memref<48x512xf32, #tpu.memory_space<vmem>>, %arg6: memref<48x512xf32, #tpu.memory_space<vmem>>, %arg7: memref<16x512xi32, #tpu.memory_space<vmem>>, %arg8: memref<16x512xi32, #tpu.memory_space<vmem>>, %arg9: memref<16x512xf32, #tpu.memory_space<vmem>>, %arg10: memref<16x512xf32, #tpu.memory_space<vmem>>, %arg11: memref<!tpu.dma_semaphore, #tpu.memory_space<semaphore_mem>>, %arg12: memref<!tpu.dma_semaphore, #tpu.memory_space<semaphore_mem>>, %arg13: memref<!tpu.dma_semaphore, #tpu.memory_space<semaphore_mem>>, %arg14: memref<!tpu.dma_semaphore, #tpu.memory_space<semaphore_mem>>) attributes {dimension_semantics = [#tpu.dimension_semantics<core_parallel>, #tpu.dimension_semantics<subcore_parallel>], iteration_bounds = array<i64: 2, 16>, scalar_prefetch = 0 : i64, scratch_operands = 10 : i64, tpu.core_type = #tpu.core_type<sc_vector_subcore>, window_params = [{transform_indices = #map}, {transform_indices = #map}, {transform_indices = #map}]} {
    %mul3A = arith.constant 2 : i32
    %mul3A_0 = arith.muli %arg1, %mul3A : i32
    %add3A = arith.addi %mul3A_0, %arg0 : i32
    %jit3A = arith.constant 16 : i32
    %div3A = arith.divsi %add3A, %jit3A : i32
    %sign3A = arith.constant 0 : i32
    %sign3A_1 = arith.cmpi sgt, %add3A, %sign3A : i32
    %sign3A_2 = arith.extui %sign3A_1 : i1 to i32
    %sign3A_3 = arith.constant 0 : i32
    %sign3A_4 = arith.cmpi slt, %add3A, %sign3A_3 : i32
    %sign3A_5 = arith.extui %sign3A_4 : i1 to i32
    %sign3A_6 = arith.subi %sign3A_2, %sign3A_5 : i32
    %sign3A_7 = arith.constant 0 : i32
    %sign3A_8 = arith.cmpi sgt, %jit3A, %sign3A_7 : i32
    %sign3A_9 = arith.extui %sign3A_8 : i1 to i32
    %sign3A_10 = arith.constant 0 : i32
    %sign3A_11 = arith.cmpi slt, %jit3A, %sign3A_10 : i32
    %sign3A_12 = arith.extui %sign3A_11 : i1 to i32
    %sign3A_13 = arith.subi %sign3A_9, %sign3A_12 : i32
    %ne3A = arith.cmpi ne, %sign3A_6, %sign3A_13 : i32
    %rem3A = arith.remsi %add3A, %jit3A : i32
    %ne3A_14 = arith.constant 0 : i32
    %ne3A_15 = arith.cmpi ne, %rem3A, %ne3A_14 : i32
    %and3A = arith.andi %ne3A, %ne3A_15 : i1
    %sub3A = arith.constant 1 : i32
    %sub3A_16 = arith.subi %div3A, %sub3A : i32
    %select_n3A = arith.select %and3A, %sub3A_16, %div3A : i32
    %jit3A_17 = arith.constant 16 : i32
    %eq3A = arith.constant 0 : i32
    %eq3A_18 = arith.cmpi eq, %jit3A_17, %eq3A : i32
    %jit3A_19 = arith.constant 1 : i32
    %select_n3A_20 = arith.select %eq3A_18, %jit3A_19, %jit3A_17 : i32
    %rem3A_21 = arith.remsi %add3A, %select_n3A_20 : i32
    %ne3A_22 = arith.constant 0 : i32
    %ne3A_23 = arith.cmpi ne, %rem3A_21, %ne3A_22 : i32
    %lt3A = arith.constant 0 : i32
    %lt3A_24 = arith.cmpi slt, %rem3A_21, %lt3A : i32
    %lt3A_25 = arith.constant 0 : i32
    %lt3A_26 = arith.cmpi slt, %select_n3A_20, %lt3A_25 : i32
    %ne3A_27 = arith.xori %lt3A_24, %lt3A_26 : i1
    %and3A_28 = arith.andi %ne3A_27, %ne3A_23 : i1
    %add3A_29 = arith.addi %rem3A_21, %select_n3A_20 : i32
    %select_n3A_30 = arith.select %and3A_28, %add3A_29, %rem3A_21 : i32
    %mul3A_31 = arith.constant 32 : i32
    %mul3A_32 = arith.muli %select_n3A_30, %mul3A_31 : i32
    %add3A_33 = arith.constant 0 : i32
    %add3A_34 = arith.addi %mul3A_32, %add3A_33 : i32
    %dma_start3A = arith.constant 0 : i32
    %dma_start3A_35 = arith.constant 0 : i32
    %dma_start3A_36 = arith.constant 0 : i32
    %dma_start3A_37 = tpu.memref_slice %arg5[%dma_start3A_35, %dma_start3A_36] : memref<48x512xf32, #tpu.memory_space<vmem>> -> memref<16x512xf32, #tpu.memory_space<vmem>>
    %dma_start3A_38 = arith.constant 0 : i32
    %dma_start3A_39 = tpu.memref_slice %arg2[%select_n3A, %dma_start3A, %add3A_34, %dma_start3A_38] : memref<16x3x512x512xf32, #tpu.memory_space<hbm>> -> memref<1x1x16x512xf32, #tpu.memory_space<hbm>>
    %dma_start3A_40 = tpu.memref_squeeze %dma_start3A_39 : memref<1x1x16x512xf32, #tpu.memory_space<hbm>> -> memref<16x512xf32, #tpu.memory_space<hbm>>
    %dma_start3A_41 = arith.constant 0 : i32
    %dma_start3A_42 = arith.constant 0 : i32
    %dma_start3A_43 = tpu.memref_slice %arg5[%dma_start3A_41, %dma_start3A_42] : memref<48x512xf32, #tpu.memory_space<vmem>> -> memref<16x512xf32, #tpu.memory_space<vmem>>
    %dma_start3A_44 = arith.constant 0 : i32
    %dma_start3A_45 = tpu.memref_slice %arg2[%select_n3A, %dma_start3A, %add3A_34, %dma_start3A_44] : memref<16x3x512x512xf32, #tpu.memory_space<hbm>> -> memref<1x1x16x512xf32, #tpu.memory_space<hbm>>
    %dma_start3A_46 = tpu.memref_squeeze %dma_start3A_45 : memref<1x1x16x512xf32, #tpu.memory_space<hbm>> -> memref<16x512xf32, #tpu.memory_space<hbm>>
    tpu.enqueue_dma source(%dma_start3A_46 : memref<16x512xf32, #tpu.memory_space<hbm>>) target(%dma_start3A_43 : memref<16x512xf32, #tpu.memory_space<vmem>>) target_semaphore(%arg11 : memref<!tpu.dma_semaphore, #tpu.memory_space<semaphore_mem>>)
    %dma_start3A_47 = arith.constant 1 : i32
    %dma_start3A_48 = arith.constant 16 : i32
    %dma_start3A_49 = arith.constant 0 : i32
    %dma_start3A_50 = tpu.memref_slice %arg5[%dma_start3A_48, %dma_start3A_49] : memref<48x512xf32, #tpu.memory_space<vmem>> -> memref<16x512xf32, #tpu.memory_space<vmem>>
    %dma_start3A_51 = arith.constant 0 : i32
    %dma_start3A_52 = tpu.memref_slice %arg2[%select_n3A, %dma_start3A_47, %add3A_34, %dma_start3A_51] : memref<16x3x512x512xf32, #tpu.memory_space<hbm>> -> memref<1x1x16x512xf32, #tpu.memory_space<hbm>>
    %dma_start3A_53 = tpu.memref_squeeze %dma_start3A_52 : memref<1x1x16x512xf32, #tpu.memory_space<hbm>> -> memref<16x512xf32, #tpu.memory_space<hbm>>
    %dma_start3A_54 = arith.constant 16 : i32
    %dma_start3A_55 = arith.constant 0 : i32
    %dma_start3A_56 = tpu.memref_slice %arg5[%dma_start3A_54, %dma_start3A_55] : memref<48x512xf32, #tpu.memory_space<vmem>> -> memref<16x512xf32, #tpu.memory_space<vmem>>
    %dma_start3A_57 = arith.constant 0 : i32
    %dma_start3A_58 = tpu.memref_slice %arg2[%select_n3A, %dma_start3A_47, %add3A_34, %dma_start3A_57] : memref<16x3x512x512xf32, #tpu.memory_space<hbm>> -> memref<1x1x16x512xf32, #tpu.memory_space<hbm>>
    %dma_start3A_59 = tpu.memref_squeeze %dma_start3A_58 : memref<1x1x16x512xf32, #tpu.memory_space<hbm>> -> memref<16x512xf32, #tpu.memory_space<hbm>>
    tpu.enqueue_dma source(%dma_start3A_59 : memref<16x512xf32, #tpu.memory_space<hbm>>) target(%dma_start3A_56 : memref<16x512xf32, #tpu.memory_space<vmem>>) target_semaphore(%arg11 : memref<!tpu.dma_semaphore, #tpu.memory_space<semaphore_mem>>)
    %dma_start3A_60 = arith.constant 2 : i32
    %dma_start3A_61 = arith.constant 32 : i32
    %dma_start3A_62 = arith.constant 0 : i32
    %dma_start3A_63 = tpu.memref_slice %arg5[%dma_start3A_61, %dma_start3A_62] : memref<48x512xf32, #tpu.memory_space<vmem>> -> memref<16x512xf32, #tpu.memory_space<vmem>>
    %dma_start3A_64 = arith.constant 0 : i32
    %dma_start3A_65 = tpu.memref_slice %arg2[%select_n3A, %dma_start3A_60, %add3A_34, %dma_start3A_64] : memref<16x3x512x512xf32, #tpu.memory_space<hbm>> -> memref<1x1x16x512xf32, #tpu.memory_space<hbm>>
    %dma_start3A_66 = tpu.memref_squeeze %dma_start3A_65 : memref<1x1x16x512xf32, #tpu.memory_space<hbm>> -> memref<16x512xf32, #tpu.memory_space<hbm>>
    %dma_start3A_67 = arith.constant 32 : i32
    %dma_start3A_68 = arith.constant 0 : i32
    %dma_start3A_69 = tpu.memref_slice %arg5[%dma_start3A_67, %dma_start3A_68] : memref<48x512xf32, #tpu.memory_space<vmem>> -> memref<16x512xf32, #tpu.memory_space<vmem>>
    %dma_start3A_70 = arith.constant 0 : i32
    %dma_start3A_71 = tpu.memref_slice %arg2[%select_n3A, %dma_start3A_60, %add3A_34, %dma_start3A_70] : memref<16x3x512x512xf32, #tpu.memory_space<hbm>> -> memref<1x1x16x512xf32, #tpu.memory_space<hbm>>
    %dma_start3A_72 = tpu.memref_squeeze %dma_start3A_71 : memref<1x1x16x512xf32, #tpu.memory_space<hbm>> -> memref<16x512xf32, #tpu.memory_space<hbm>>
    tpu.enqueue_dma source(%dma_start3A_72 : memref<16x512xf32, #tpu.memory_space<hbm>>) target(%dma_start3A_69 : memref<16x512xf32, #tpu.memory_space<vmem>>) target_semaphore(%arg11 : memref<!tpu.dma_semaphore, #tpu.memory_space<semaphore_mem>>)
    %dma_start3A_73 = arith.constant 0 : i32
    %dma_start3A_74 = arith.constant 0 : i32
    %dma_start3A_75 = tpu.memref_slice %arg3[%select_n3A, %dma_start3A_73, %add3A_34, %dma_start3A_74] : memref<16x1x512x512xi32, #tpu.memory_space<hbm>> -> memref<1x1x16x512xi32, #tpu.memory_space<hbm>>
    %dma_start3A_76 = tpu.memref_squeeze %dma_start3A_75 : memref<1x1x16x512xi32, #tpu.memory_space<hbm>> -> memref<16x512xi32, #tpu.memory_space<hbm>>
    %dma_start3A_77 = arith.constant 0 : i32
    %dma_start3A_78 = tpu.memref_slice %arg3[%select_n3A, %dma_start3A_73, %add3A_34, %dma_start3A_77] : memref<16x1x512x512xi32, #tpu.memory_space<hbm>> -> memref<1x1x16x512xi32, #tpu.memory_space<hbm>>
    %dma_start3A_79 = tpu.memref_squeeze %dma_start3A_78 : memref<1x1x16x512xi32, #tpu.memory_space<hbm>> -> memref<16x512xi32, #tpu.memory_space<hbm>>
    tpu.enqueue_dma source(%dma_start3A_79 : memref<16x512xi32, #tpu.memory_space<hbm>>) target(%arg7 : memref<16x512xi32, #tpu.memory_space<vmem>>) target_semaphore(%arg11 : memref<!tpu.dma_semaphore, #tpu.memory_space<semaphore_mem>>)
    %add3A_80 = arith.constant 16 : i32
    %add3A_81 = arith.addi %mul3A_32, %add3A_80 : i32
    %dma_start3A_82 = arith.constant 0 : i32
    %dma_start3A_83 = arith.constant 0 : i32
    %dma_start3A_84 = arith.constant 0 : i32
    %dma_start3A_85 = tpu.memref_slice %arg6[%dma_start3A_83, %dma_start3A_84] : memref<48x512xf32, #tpu.memory_space<vmem>> -> memref<16x512xf32, #tpu.memory_space<vmem>>
    %dma_start3A_86 = arith.constant 0 : i32
    %dma_start3A_87 = tpu.memref_slice %arg2[%select_n3A, %dma_start3A_82, %add3A_81, %dma_start3A_86] : memref<16x3x512x512xf32, #tpu.memory_space<hbm>> -> memref<1x1x16x512xf32, #tpu.memory_space<hbm>>
    %dma_start3A_88 = tpu.memref_squeeze %dma_start3A_87 : memref<1x1x16x512xf32, #tpu.memory_space<hbm>> -> memref<16x512xf32, #tpu.memory_space<hbm>>
    %dma_start3A_89 = arith.constant 0 : i32
    %dma_start3A_90 = arith.constant 0 : i32
    %dma_start3A_91 = tpu.memref_slice %arg6[%dma_start3A_89, %dma_start3A_90] : memref<48x512xf32, #tpu.memory_space<vmem>> -> memref<16x512xf32, #tpu.memory_space<vmem>>
    %dma_start3A_92 = arith.constant 0 : i32
    %dma_start3A_93 = tpu.memref_slice %arg2[%select_n3A, %dma_start3A_82, %add3A_81, %dma_start3A_92] : memref<16x3x512x512xf32, #tpu.memory_space<hbm>> -> memref<1x1x16x512xf32, #tpu.memory_space<hbm>>
    %dma_start3A_94 = tpu.memref_squeeze %dma_start3A_93 : memref<1x1x16x512xf32, #tpu.memory_space<hbm>> -> memref<16x512xf32, #tpu.memory_space<hbm>>
    tpu.enqueue_dma source(%dma_start3A_94 : memref<16x512xf32, #tpu.memory_space<hbm>>) target(%dma_start3A_91 : memref<16x512xf32, #tpu.memory_space<vmem>>) target_semaphore(%arg12 : memref<!tpu.dma_semaphore, #tpu.memory_space<semaphore_mem>>)
    %dma_start3A_95 = arith.constant 1 : i32
    %dma_start3A_96 = arith.constant 16 : i32
    %dma_start3A_97 = arith.constant 0 : i32
    %dma_start3A_98 = tpu.memref_slice %arg6[%dma_start3A_96, %dma_start3A_97] : memref<48x512xf32, #tpu.memory_space<vmem>> -> memref<16x512xf32, #tpu.memory_space<vmem>>
    %dma_start3A_99 = arith.constant 0 : i32
    %dma_start3A_100 = tpu.memref_slice %arg2[%select_n3A, %dma_start3A_95, %add3A_81, %dma_start3A_99] : memref<16x3x512x512xf32, #tpu.memory_space<hbm>> -> memref<1x1x16x512xf32, #tpu.memory_space<hbm>>
    %dma_start3A_101 = tpu.memref_squeeze %dma_start3A_100 : memref<1x1x16x512xf32, #tpu.memory_space<hbm>> -> memref<16x512xf32, #tpu.memory_space<hbm>>
    %dma_start3A_102 = arith.constant 16 : i32
    %dma_start3A_103 = arith.constant 0 : i32
    %dma_start3A_104 = tpu.memref_slice %arg6[%dma_start3A_102, %dma_start3A_103] : memref<48x512xf32, #tpu.memory_space<vmem>> -> memref<16x512xf32, #tpu.memory_space<vmem>>
    %dma_start3A_105 = arith.constant 0 : i32
    %dma_start3A_106 = tpu.memref_slice %arg2[%select_n3A, %dma_start3A_95, %add3A_81, %dma_start3A_105] : memref<16x3x512x512xf32, #tpu.memory_space<hbm>> -> memref<1x1x16x512xf32, #tpu.memory_space<hbm>>
    %dma_start3A_107 = tpu.memref_squeeze %dma_start3A_106 : memref<1x1x16x512xf32, #tpu.memory_space<hbm>> -> memref<16x512xf32, #tpu.memory_space<hbm>>
    tpu.enqueue_dma source(%dma_start3A_107 : memref<16x512xf32, #tpu.memory_space<hbm>>) target(%dma_start3A_104 : memref<16x512xf32, #tpu.memory_space<vmem>>) target_semaphore(%arg12 : memref<!tpu.dma_semaphore, #tpu.memory_space<semaphore_mem>>)
    %dma_start3A_108 = arith.constant 2 : i32
    %dma_start3A_109 = arith.constant 32 : i32
    %dma_start3A_110 = arith.constant 0 : i32
    %dma_start3A_111 = tpu.memref_slice %arg6[%dma_start3A_109, %dma_start3A_110] : memref<48x512xf32, #tpu.memory_space<vmem>> -> memref<16x512xf32, #tpu.memory_space<vmem>>
    %dma_start3A_112 = arith.constant 0 : i32
    %dma_start3A_113 = tpu.memref_slice %arg2[%select_n3A, %dma_start3A_108, %add3A_81, %dma_start3A_112] : memref<16x3x512x512xf32, #tpu.memory_space<hbm>> -> memref<1x1x16x512xf32, #tpu.memory_space<hbm>>
    %dma_start3A_114 = tpu.memref_squeeze %dma_start3A_113 : memref<1x1x16x512xf32, #tpu.memory_space<hbm>> -> memref<16x512xf32, #tpu.memory_space<hbm>>
    %dma_start3A_115 = arith.constant 32 : i32
    %dma_start3A_116 = arith.constant 0 : i32
    %dma_start3A_117 = tpu.memref_slice %arg6[%dma_start3A_115, %dma_start3A_116] : memref<48x512xf32, #tpu.memory_space<vmem>> -> memref<16x512xf32, #tpu.memory_space<vmem>>
    %dma_start3A_118 = arith.constant 0 : i32
    %dma_start3A_119 = tpu.memref_slice %arg2[%select_n3A, %dma_start3A_108, %add3A_81, %dma_start3A_118] : memref<16x3x512x512xf32, #tpu.memory_space<hbm>> -> memref<1x1x16x512xf32, #tpu.memory_space<hbm>>
    %dma_start3A_120 = tpu.memref_squeeze %dma_start3A_119 : memref<1x1x16x512xf32, #tpu.memory_space<hbm>> -> memref<16x512xf32, #tpu.memory_space<hbm>>
    tpu.enqueue_dma source(%dma_start3A_120 : memref<16x512xf32, #tpu.memory_space<hbm>>) target(%dma_start3A_117 : memref<16x512xf32, #tpu.memory_space<vmem>>) target_semaphore(%arg12 : memref<!tpu.dma_semaphore, #tpu.memory_space<semaphore_mem>>)
    %dma_start3A_121 = arith.constant 0 : i32
    %dma_start3A_122 = arith.constant 0 : i32
    %dma_start3A_123 = tpu.memref_slice %arg3[%select_n3A, %dma_start3A_121, %add3A_81, %dma_start3A_122] : memref<16x1x512x512xi32, #tpu.memory_space<hbm>> -> memref<1x1x16x512xi32, #tpu.memory_space<hbm>>
    %dma_start3A_124 = tpu.memref_squeeze %dma_start3A_123 : memref<1x1x16x512xi32, #tpu.memory_space<hbm>> -> memref<16x512xi32, #tpu.memory_space<hbm>>
    %dma_start3A_125 = arith.constant 0 : i32
    %dma_start3A_126 = tpu.memref_slice %arg3[%select_n3A, %dma_start3A_121, %add3A_81, %dma_start3A_125] : memref<16x1x512x512xi32, #tpu.memory_space<hbm>> -> memref<1x1x16x512xi32, #tpu.memory_space<hbm>>
    %dma_start3A_127 = tpu.memref_squeeze %dma_start3A_126 : memref<1x1x16x512xi32, #tpu.memory_space<hbm>> -> memref<16x512xi32, #tpu.memory_space<hbm>>
    tpu.enqueue_dma source(%dma_start3A_127 : memref<16x512xi32, #tpu.memory_space<hbm>>) target(%arg8 : memref<16x512xi32, #tpu.memory_space<vmem>>) target_semaphore(%arg12 : memref<!tpu.dma_semaphore, #tpu.memory_space<semaphore_mem>>)
    %dma_wait3A = arith.constant 0 : i32
    %dma_wait3A_128 = arith.constant 0 : i32
    %dma_wait3A_129 = arith.constant 0 : i32
    %dma_wait3A_130 = tpu.memref_slice %arg5[%dma_wait3A_128, %dma_wait3A_129] : memref<48x512xf32, #tpu.memory_space<vmem>> -> memref<16x512xf32, #tpu.memory_space<vmem>>
    %dma_wait3A_131 = arith.constant 0 : i32
    %dma_wait3A_132 = tpu.memref_slice %arg2[%select_n3A, %dma_wait3A, %add3A_34, %dma_wait3A_131] : memref<16x3x512x512xf32, #tpu.memory_space<hbm>> -> memref<1x1x16x512xf32, #tpu.memory_space<hbm>>
    %dma_wait3A_133 = tpu.memref_squeeze %dma_wait3A_132 : memref<1x1x16x512xf32, #tpu.memory_space<hbm>> -> memref<16x512xf32, #tpu.memory_space<hbm>>
    %dma_wait3A_134 = arith.constant 0 : i32
    %dma_wait3A_135 = arith.constant 0 : i32
    %dma_wait3A_136 = tpu.memref_slice %arg5[%dma_wait3A_134, %dma_wait3A_135] : memref<48x512xf32, #tpu.memory_space<vmem>> -> memref<16x512xf32, #tpu.memory_space<vmem>>
    %dma_wait3A_137 = arith.constant 0 : i32
    %dma_wait3A_138 = tpu.memref_slice %arg2[%select_n3A, %dma_wait3A, %add3A_34, %dma_wait3A_137] : memref<16x3x512x512xf32, #tpu.memory_space<hbm>> -> memref<1x1x16x512xf32, #tpu.memory_space<hbm>>
    %dma_wait3A_139 = tpu.memref_squeeze %dma_wait3A_138 : memref<1x1x16x512xf32, #tpu.memory_space<hbm>> -> memref<16x512xf32, #tpu.memory_space<hbm>>
    tpu.wait_dma2 semaphore(%arg11 : memref<!tpu.dma_semaphore, #tpu.memory_space<semaphore_mem>>) src(%dma_wait3A_139 : memref<16x512xf32, #tpu.memory_space<hbm>>) dst(%dma_wait3A_136 : memref<16x512xf32, #tpu.memory_space<vmem>>)
    %dma_wait3A_140 = arith.constant 1 : i32
    %dma_wait3A_141 = arith.constant 16 : i32
    %dma_wait3A_142 = arith.constant 0 : i32
    %dma_wait3A_143 = tpu.memref_slice %arg5[%dma_wait3A_141, %dma_wait3A_142] : memref<48x512xf32, #tpu.memory_space<vmem>> -> memref<16x512xf32, #tpu.memory_space<vmem>>
    %dma_wait3A_144 = arith.constant 0 : i32
    %dma_wait3A_145 = tpu.memref_slice %arg2[%select_n3A, %dma_wait3A_140, %add3A_34, %dma_wait3A_144] : memref<16x3x512x512xf32, #tpu.memory_space<hbm>> -> memref<1x1x16x512xf32, #tpu.memory_space<hbm>>
    %dma_wait3A_146 = tpu.memref_squeeze %dma_wait3A_145 : memref<1x1x16x512xf32, #tpu.memory_space<hbm>> -> memref<16x512xf32, #tpu.memory_space<hbm>>
    %dma_wait3A_147 = arith.constant 16 : i32
    %dma_wait3A_148 = arith.constant 0 : i32
    %dma_wait3A_149 = tpu.memref_slice %arg5[%dma_wait3A_147, %dma_wait3A_148] : memref<48x512xf32, #tpu.memory_space<vmem>> -> memref<16x512xf32, #tpu.memory_space<vmem>>
    %dma_wait3A_150 = arith.constant 0 : i32
    %dma_wait3A_151 = tpu.memref_slice %arg2[%select_n3A, %dma_wait3A_140, %add3A_34, %dma_wait3A_150] : memref<16x3x512x512xf32, #tpu.memory_space<hbm>> -> memref<1x1x16x512xf32, #tpu.memory_space<hbm>>
    %dma_wait3A_152 = tpu.memref_squeeze %dma_wait3A_151 : memref<1x1x16x512xf32, #tpu.memory_space<hbm>> -> memref<16x512xf32, #tpu.memory_space<hbm>>
    tpu.wait_dma2 semaphore(%arg11 : memref<!tpu.dma_semaphore, #tpu.memory_space<semaphore_mem>>) src(%dma_wait3A_152 : memref<16x512xf32, #tpu.memory_space<hbm>>) dst(%dma_wait3A_149 : memref<16x512xf32, #tpu.memory_space<vmem>>)
    %dma_wait3A_153 = arith.constant 2 : i32
    %dma_wait3A_154 = arith.constant 32 : i32
    %dma_wait3A_155 = arith.constant 0 : i32
    %dma_wait3A_156 = tpu.memref_slice %arg5[%dma_wait3A_154, %dma_wait3A_155] : memref<48x512xf32, #tpu.memory_space<vmem>> -> memref<16x512xf32, #tpu.memory_space<vmem>>
    %dma_wait3A_157 = arith.constant 0 : i32
    %dma_wait3A_158 = tpu.memref_slice %arg2[%select_n3A, %dma_wait3A_153, %add3A_34, %dma_wait3A_157] : memref<16x3x512x512xf32, #tpu.memory_space<hbm>> -> memref<1x1x16x512xf32, #tpu.memory_space<hbm>>
    %dma_wait3A_159 = tpu.memref_squeeze %dma_wait3A_158 : memref<1x1x16x512xf32, #tpu.memory_space<hbm>> -> memref<16x512xf32, #tpu.memory_space<hbm>>
    %dma_wait3A_160 = arith.constant 32 : i32
    %dma_wait3A_161 = arith.constant 0 : i32
    %dma_wait3A_162 = tpu.memref_slice %arg5[%dma_wait3A_160, %dma_wait3A_161] : memref<48x512xf32, #tpu.memory_space<vmem>> -> memref<16x512xf32, #tpu.memory_space<vmem>>
    %dma_wait3A_163 = arith.constant 0 : i32
    %dma_wait3A_164 = tpu.memref_slice %arg2[%select_n3A, %dma_wait3A_153, %add3A_34, %dma_wait3A_163] : memref<16x3x512x512xf32, #tpu.memory_space<hbm>> -> memref<1x1x16x512xf32, #tpu.memory_space<hbm>>
    %dma_wait3A_165 = tpu.memref_squeeze %dma_wait3A_164 : memref<1x1x16x512xf32, #tpu.memory_space<hbm>> -> memref<16x512xf32, #tpu.memory_space<hbm>>
    tpu.wait_dma2 semaphore(%arg11 : memref<!tpu.dma_semaphore, #tpu.memory_space<semaphore_mem>>) src(%dma_wait3A_165 : memref<16x512xf32, #tpu.memory_space<hbm>>) dst(%dma_wait3A_162 : memref<16x512xf32, #tpu.memory_space<vmem>>)
    %dma_wait3A_166 = arith.constant 0 : i32
    %dma_wait3A_167 = arith.constant 0 : i32
    %dma_wait3A_168 = tpu.memref_slice %arg3[%select_n3A, %dma_wait3A_166, %add3A_34, %dma_wait3A_167] : memref<16x1x512x512xi32, #tpu.memory_space<hbm>> -> memref<1x1x16x512xi32, #tpu.memory_space<hbm>>
    %dma_wait3A_169 = tpu.memref_squeeze %dma_wait3A_168 : memref<1x1x16x512xi32, #tpu.memory_space<hbm>> -> memref<16x512xi32, #tpu.memory_space<hbm>>
    %dma_wait3A_170 = arith.constant 0 : i32
    %dma_wait3A_171 = tpu.memref_slice %arg3[%select_n3A, %dma_wait3A_166, %add3A_34, %dma_wait3A_170] : memref<16x1x512x512xi32, #tpu.memory_space<hbm>> -> memref<1x1x16x512xi32, #tpu.memory_space<hbm>>
    %dma_wait3A_172 = tpu.memref_squeeze %dma_wait3A_171 : memref<1x1x16x512xi32, #tpu.memory_space<hbm>> -> memref<16x512xi32, #tpu.memory_space<hbm>>
    tpu.wait_dma2 semaphore(%arg11 : memref<!tpu.dma_semaphore, #tpu.memory_space<semaphore_mem>>) src(%dma_wait3A_172 : memref<16x512xi32, #tpu.memory_space<hbm>>) dst(%arg7 : memref<16x512xi32, #tpu.memory_space<vmem>>)
    %parallel_loop3A = arith.constant 0 : i32
    %parallel_loop3A_173 = arith.constant 8192 : i32
    %parallel_loop3A_174 = arith.constant 16 : i32
    scf.for %parallel_loop3A_256 = %parallel_loop3A to %parallel_loop3A_173 step %parallel_loop3A_174  : i32 {
      %parallel_loop3A_257 = arith.constant 9 : i32
      %parallel_loop3A_258 = arith.shrsi %parallel_loop3A_256, %parallel_loop3A_257 : i32
      %parallel_loop3A_259 = arith.constant 511 : i32
      %parallel_loop3A_260 = arith.andi %parallel_loop3A_256, %parallel_loop3A_259 : i32
      %parallel_loop3A_261 = arith.index_cast %parallel_loop3A_258 : i32 to index
      %parallel_loop3A_262 = arith.index_cast %parallel_loop3A_260 : i32 to index
      %parallel_loop3A_263 = tpu.vector_load %arg7[%parallel_loop3A_261, %parallel_loop3A_262] {strides = array<i32>} : memref<16x512xi32, #tpu.memory_space<vmem>>, vector<16xi32>,
      %parallel_loop3A_264 = tpu.iota {dimensions = array<i32: 0>} : vector<16xi32>
      %parallel_loop3A_265 = vector.broadcast %parallel_loop3A_260 : i32 to vector<16xi32>
      %parallel_loop3A_266 = arith.addi %parallel_loop3A_265, %parallel_loop3A_264 : vector<16xi32>
      %parallel_loop3A_267 = arith.constant 4 : i32
      %parallel_loop3A_268 = vector.broadcast %parallel_loop3A_267 : i32 to vector<16xi32>
      %parallel_loop3A_269 = arith.shli %parallel_loop3A_263, %parallel_loop3A_268 : vector<16xi32>
      %parallel_loop3A_270 = vector.broadcast %parallel_loop3A_258 : i32 to vector<16xi32>
      %parallel_loop3A_271 = arith.addi %parallel_loop3A_269, %parallel_loop3A_270 : vector<16xi32>
      %parallel_loop3A_272 = tpu.vector_load_idx %arg5[%parallel_loop3A_271, %parallel_loop3A_266] : memref<48x512xf32, #tpu.memory_space<vmem>>[vector<16xi32>, vector<16xi32>], vector<16xf32>,
      %parallel_loop3A_273 = arith.index_cast %parallel_loop3A_258 : i32 to index
      %parallel_loop3A_274 = arith.index_cast %parallel_loop3A_260 : i32 to index
      %parallel_loop3A_275 = tpu.vector_load %arg9[%parallel_loop3A_273, %parallel_loop3A_274] {strides = array<i32>} : memref<16x512xf32, #tpu.memory_space<vmem>>, vector<16xf32>,
      tpu.vector_store %arg9[%parallel_loop3A_273, %parallel_loop3A_274], %parallel_loop3A_272 {strides = array<i32>} : memref<16x512xf32, #tpu.memory_space<vmem>>, vector<16xf32>,
    } {sc.loop_unroll_factor = 8 : i64, sc.parallel_access}
    %add3A_175 = arith.constant 0 : i32
    %add3A_176 = arith.addi %mul3A_32, %add3A_175 : i32
    %dma_start3A_177 = arith.constant 0 : i32
    %dma_start3A_178 = arith.constant 0 : i32
    %dma_start3A_179 = tpu.memref_slice %arg4[%select_n3A, %dma_start3A_177, %add3A_176, %dma_start3A_178] : memref<2x1x512x512xf32, #tpu.memory_space<hbm>> -> memref<1x1x16x512xf32, #tpu.memory_space<hbm>>
    %dma_start3A_180 = tpu.memref_squeeze %dma_start3A_179 : memref<1x1x16x512xf32, #tpu.memory_space<hbm>> -> memref<16x512xf32, #tpu.memory_space<hbm>>
    %dma_start3A_181 = arith.constant 0 : i32
    %dma_start3A_182 = tpu.memref_slice %arg4[%select_n3A, %dma_start3A_177, %add3A_176, %dma_start3A_181] : memref<2x1x512x512xf32, #tpu.memory_space<hbm>> -> memref<1x1x16x512xf32, #tpu.memory_space<hbm>>
    %dma_start3A_183 = tpu.memref_squeeze %dma_start3A_182 : memref<1x1x16x512xf32, #tpu.memory_space<hbm>> -> memref<16x512xf32, #tpu.memory_space<hbm>>
    tpu.enqueue_dma source(%arg9 : memref<16x512xf32, #tpu.memory_space<vmem>>) target(%dma_start3A_183 : memref<16x512xf32, #tpu.memory_space<hbm>>) target_semaphore(%arg13 : memref<!tpu.dma_semaphore, #tpu.memory_space<semaphore_mem>>)
    %dma_wait3A_184 = arith.constant 0 : i32
    %dma_wait3A_185 = arith.constant 0 : i32
    %dma_wait3A_186 = arith.constant 0 : i32
    %dma_wait3A_187 = tpu.memref_slice %arg6[%dma_wait3A_185, %dma_wait3A_186] : memref<48x512xf32, #tpu.memory_space<vmem>> -> memref<16x512xf32, #tpu.memory_space<vmem>>
    %dma_wait3A_188 = arith.constant 0 : i32
    %dma_wait3A_189 = tpu.memref_slice %arg2[%select_n3A, %dma_wait3A_184, %add3A_81, %dma_wait3A_188] : memref<16x3x512x512xf32, #tpu.memory_space<hbm>> -> memref<1x1x16x512xf32, #tpu.memory_space<hbm>>
    %dma_wait3A_190 = tpu.memref_squeeze %dma_wait3A_189 : memref<1x1x16x512xf32, #tpu.memory_space<hbm>> -> memref<16x512xf32, #tpu.memory_space<hbm>>
    %dma_wait3A_191 = arith.constant 0 : i32
    %dma_wait3A_192 = arith.constant 0 : i32
    %dma_wait3A_193 = tpu.memref_slice %arg6[%dma_wait3A_191, %dma_wait3A_192] : memref<48x512xf32, #tpu.memory_space<vmem>> -> memref<16x512xf32, #tpu.memory_space<vmem>>
    %dma_wait3A_194 = arith.constant 0 : i32
    %dma_wait3A_195 = tpu.memref_slice %arg2[%select_n3A, %dma_wait3A_184, %add3A_81, %dma_wait3A_194] : memref<16x3x512x512xf32, #tpu.memory_space<hbm>> -> memref<1x1x16x512xf32, #tpu.memory_space<hbm>>
    %dma_wait3A_196 = tpu.memref_squeeze %dma_wait3A_195 : memref<1x1x16x512xf32, #tpu.memory_space<hbm>> -> memref<16x512xf32, #tpu.memory_space<hbm>>
    tpu.wait_dma2 semaphore(%arg12 : memref<!tpu.dma_semaphore, #tpu.memory_space<semaphore_mem>>) src(%dma_wait3A_196 : memref<16x512xf32, #tpu.memory_space<hbm>>) dst(%dma_wait3A_193 : memref<16x512xf32, #tpu.memory_space<vmem>>)
    %dma_wait3A_197 = arith.constant 1 : i32
    %dma_wait3A_198 = arith.constant 16 : i32
    %dma_wait3A_199 = arith.constant 0 : i32
    %dma_wait3A_200 = tpu.memref_slice %arg6[%dma_wait3A_198, %dma_wait3A_199] : memref<48x512xf32, #tpu.memory_space<vmem>> -> memref<16x512xf32, #tpu.memory_space<vmem>>
    %dma_wait3A_201 = arith.constant 0 : i32
    %dma_wait3A_202 = tpu.memref_slice %arg2[%select_n3A, %dma_wait3A_197, %add3A_81, %dma_wait3A_201] : memref<16x3x512x512xf32, #tpu.memory_space<hbm>> -> memref<1x1x16x512xf32, #tpu.memory_space<hbm>>
    %dma_wait3A_203 = tpu.memref_squeeze %dma_wait3A_202 : memref<1x1x16x512xf32, #tpu.memory_space<hbm>> -> memref<16x512xf32, #tpu.memory_space<hbm>>
    %dma_wait3A_204 = arith.constant 16 : i32
    %dma_wait3A_205 = arith.constant 0 : i32
    %dma_wait3A_206 = tpu.memref_slice %arg6[%dma_wait3A_204, %dma_wait3A_205] : memref<48x512xf32, #tpu.memory_space<vmem>> -> memref<16x512xf32, #tpu.memory_space<vmem>>
    %dma_wait3A_207 = arith.constant 0 : i32
    %dma_wait3A_208 = tpu.memref_slice %arg2[%select_n3A, %dma_wait3A_197, %add3A_81, %dma_wait3A_207] : memref<16x3x512x512xf32, #tpu.memory_space<hbm>> -> memref<1x1x16x512xf32, #tpu.memory_space<hbm>>
    %dma_wait3A_209 = tpu.memref_squeeze %dma_wait3A_208 : memref<1x1x16x512xf32, #tpu.memory_space<hbm>> -> memref<16x512xf32, #tpu.memory_space<hbm>>
    tpu.wait_dma2 semaphore(%arg12 : memref<!tpu.dma_semaphore, #tpu.memory_space<semaphore_mem>>) src(%dma_wait3A_209 : memref<16x512xf32, #tpu.memory_space<hbm>>) dst(%dma_wait3A_206 : memref<16x512xf32, #tpu.memory_space<vmem>>)
    %dma_wait3A_210 = arith.constant 2 : i32
    %dma_wait3A_211 = arith.constant 32 : i32
    %dma_wait3A_212 = arith.constant 0 : i32
    %dma_wait3A_213 = tpu.memref_slice %arg6[%dma_wait3A_211, %dma_wait3A_212] : memref<48x512xf32, #tpu.memory_space<vmem>> -> memref<16x512xf32, #tpu.memory_space<vmem>>
    %dma_wait3A_214 = arith.constant 0 : i32
    %dma_wait3A_215 = tpu.memref_slice %arg2[%select_n3A, %dma_wait3A_210, %add3A_81, %dma_wait3A_214] : memref<16x3x512x512xf32, #tpu.memory_space<hbm>> -> memref<1x1x16x512xf32, #tpu.memory_space<hbm>>
    %dma_wait3A_216 = tpu.memref_squeeze %dma_wait3A_215 : memref<1x1x16x512xf32, #tpu.memory_space<hbm>> -> memref<16x512xf32, #tpu.memory_space<hbm>>
    %dma_wait3A_217 = arith.constant 32 : i32
    %dma_wait3A_218 = arith.constant 0 : i32
    %dma_wait3A_219 = tpu.memref_slice %arg6[%dma_wait3A_217, %dma_wait3A_218] : memref<48x512xf32, #tpu.memory_space<vmem>> -> memref<16x512xf32, #tpu.memory_space<vmem>>
    %dma_wait3A_220 = arith.constant 0 : i32
    %dma_wait3A_221 = tpu.memref_slice %arg2[%select_n3A, %dma_wait3A_210, %add3A_81, %dma_wait3A_220] : memref<16x3x512x512xf32, #tpu.memory_space<hbm>> -> memref<1x1x16x512xf32, #tpu.memory_space<hbm>>
    %dma_wait3A_222 = tpu.memref_squeeze %dma_wait3A_221 : memref<1x1x16x512xf32, #tpu.memory_space<hbm>> -> memref<16x512xf32, #tpu.memory_space<hbm>>
    tpu.wait_dma2 semaphore(%arg12 : memref<!tpu.dma_semaphore, #tpu.memory_space<semaphore_mem>>) src(%dma_wait3A_222 : memref<16x512xf32, #tpu.memory_space<hbm>>) dst(%dma_wait3A_219 : memref<16x512xf32, #tpu.memory_space<vmem>>)
    %dma_wait3A_223 = arith.constant 0 : i32
    %dma_wait3A_224 = arith.constant 0 : i32
    %dma_wait3A_225 = tpu.memref_slice %arg3[%select_n3A, %dma_wait3A_223, %add3A_81, %dma_wait3A_224] : memref<16x1x512x512xi32, #tpu.memory_space<hbm>> -> memref<1x1x16x512xi32, #tpu.memory_space<hbm>>
    %dma_wait3A_226 = tpu.memref_squeeze %dma_wait3A_225 : memref<1x1x16x512xi32, #tpu.memory_space<hbm>> -> memref<16x512xi32, #tpu.memory_space<hbm>>
    %dma_wait3A_227 = arith.constant 0 : i32
    %dma_wait3A_228 = tpu.memref_slice %arg3[%select_n3A, %dma_wait3A_223, %add3A_81, %dma_wait3A_227] : memref<16x1x512x512xi32, #tpu.memory_space<hbm>> -> memref<1x1x16x512xi32, #tpu.memory_space<hbm>>
    %dma_wait3A_229 = tpu.memref_squeeze %dma_wait3A_228 : memref<1x1x16x512xi32, #tpu.memory_space<hbm>> -> memref<16x512xi32, #tpu.memory_space<hbm>>
    tpu.wait_dma2 semaphore(%arg12 : memref<!tpu.dma_semaphore, #tpu.memory_space<semaphore_mem>>) src(%dma_wait3A_229 : memref<16x512xi32, #tpu.memory_space<hbm>>) dst(%arg8 : memref<16x512xi32, #tpu.memory_space<vmem>>)
    %parallel_loop3A_230 = arith.constant 0 : i32
    %parallel_loop3A_231 = arith.constant 8192 : i32
    %parallel_loop3A_232 = arith.constant 16 : i32
    scf.for %parallel_loop3A_256 = %parallel_loop3A_230 to %parallel_loop3A_231 step %parallel_loop3A_232  : i32 {
      %parallel_loop3A_257 = arith.constant 9 : i32
      %parallel_loop3A_258 = arith.shrsi %parallel_loop3A_256, %parallel_loop3A_257 : i32
      %parallel_loop3A_259 = arith.constant 511 : i32
      %parallel_loop3A_260 = arith.andi %parallel_loop3A_256, %parallel_loop3A_259 : i32
      %parallel_loop3A_261 = arith.index_cast %parallel_loop3A_258 : i32 to index
      %parallel_loop3A_262 = arith.index_cast %parallel_loop3A_260 : i32 to index
      %parallel_loop3A_263 = tpu.vector_load %arg8[%parallel_loop3A_261, %parallel_loop3A_262] {strides = array<i32>} : memref<16x512xi32, #tpu.memory_space<vmem>>, vector<16xi32>,
      %parallel_loop3A_264 = tpu.iota {dimensions = array<i32: 0>} : vector<16xi32>
      %parallel_loop3A_265 = vector.broadcast %parallel_loop3A_260 : i32 to vector<16xi32>
      %parallel_loop3A_266 = arith.addi %parallel_loop3A_265, %parallel_loop3A_264 : vector<16xi32>
      %parallel_loop3A_267 = arith.constant 4 : i32
      %parallel_loop3A_268 = vector.broadcast %parallel_loop3A_267 : i32 to vector<16xi32>
      %parallel_loop3A_269 = arith.shli %parallel_loop3A_263, %parallel_loop3A_268 : vector<16xi32>
      %parallel_loop3A_270 = vector.broadcast %parallel_loop3A_258 : i32 to vector<16xi32>
      %parallel_loop3A_271 = arith.addi %parallel_loop3A_269, %parallel_loop3A_270 : vector<16xi32>
      %parallel_loop3A_272 = tpu.vector_load_idx %arg6[%parallel_loop3A_271, %parallel_loop3A_266] : memref<48x512xf32, #tpu.memory_space<vmem>>[vector<16xi32>, vector<16xi32>], vector<16xf32>,
      %parallel_loop3A_273 = arith.index_cast %parallel_loop3A_258 : i32 to index
      %parallel_loop3A_274 = arith.index_cast %parallel_loop3A_260 : i32 to index
      %parallel_loop3A_275 = tpu.vector_load %arg10[%parallel_loop3A_273, %parallel_loop3A_274] {strides = array<i32>} : memref<16x512xf32, #tpu.memory_space<vmem>>, vector<16xf32>,
      tpu.vector_store %arg10[%parallel_loop3A_273, %parallel_loop3A_274], %parallel_loop3A_272 {strides = array<i32>} : memref<16x512xf32, #tpu.memory_space<vmem>>, vector<16xf32>,
    } {sc.loop_unroll_factor = 8 : i64, sc.parallel_access}
    %add3A_233 = arith.constant 16 : i32
    %add3A_234 = arith.addi %mul3A_32, %add3A_233 : i32
    %dma_start3A_235 = arith.constant 0 : i32
    %dma_start3A_236 = arith.constant 0 : i32
    %dma_start3A_237 = tpu.memref_slice %arg4[%select_n3A, %dma_start3A_235, %add3A_234, %dma_start3A_236] : memref<2x1x512x512xf32, #tpu.memory_space<hbm>> -> memref<1x1x16x512xf32, #tpu.memory_space<hbm>>
    %dma_start3A_238 = tpu.memref_squeeze %dma_start3A_237 : memref<1x1x16x512xf32, #tpu.memory_space<hbm>> -> memref<16x512xf32, #tpu.memory_space<hbm>>
    %dma_start3A_239 = arith.constant 0 : i32
    %dma_start3A_240 = tpu.memref_slice %arg4[%select_n3A, %dma_start3A_235, %add3A_234, %dma_start3A_239] : memref<2x1x512x512xf32, #tpu.memory_space<hbm>> -> memref<1x1x16x512xf32, #tpu.memory_space<hbm>>
    %dma_start3A_241 = tpu.memref_squeeze %dma_start3A_240 : memref<1x1x16x512xf32, #tpu.memory_space<hbm>> -> memref<16x512xf32, #tpu.memory_space<hbm>>
    tpu.enqueue_dma source(%arg10 : memref<16x512xf32, #tpu.memory_space<vmem>>) target(%dma_start3A_241 : memref<16x512xf32, #tpu.memory_space<hbm>>) target_semaphore(%arg14 : memref<!tpu.dma_semaphore, #tpu.memory_space<semaphore_mem>>)
    %dma_wait3A_242 = arith.constant 0 : i32
    %dma_wait3A_243 = arith.constant 0 : i32
    %dma_wait3A_244 = tpu.memref_slice %arg4[%select_n3A, %dma_wait3A_242, %add3A_176, %dma_wait3A_243] : memref<2x1x512x512xf32, #tpu.memory_space<hbm>> -> memref<1x1x16x512xf32, #tpu.memory_space<hbm>>
    %dma_wait3A_245 = tpu.memref_squeeze %dma_wait3A_244 : memref<1x1x16x512xf32, #tpu.memory_space<hbm>> -> memref<16x512xf32, #tpu.memory_space<hbm>>
    %dma_wait3A_246 = arith.constant 0 : i32
    %dma_wait3A_247 = tpu.memref_slice %arg4[%select_n3A, %dma_wait3A_242, %add3A_176, %dma_wait3A_246] : memref<2x1x512x512xf32, #tpu.memory_space<hbm>> -> memref<1x1x16x512xf32, #tpu.memory_space<hbm>>
    %dma_wait3A_248 = tpu.memref_squeeze %dma_wait3A_247 : memref<1x1x16x512xf32, #tpu.memory_space<hbm>> -> memref<16x512xf32, #tpu.memory_space<hbm>>
    tpu.wait_dma2 semaphore(%arg13 : memref<!tpu.dma_semaphore, #tpu.memory_space<semaphore_mem>>) src(%arg9 : memref<16x512xf32, #tpu.memory_space<vmem>>) dst(%dma_wait3A_248 : memref<16x512xf32, #tpu.memory_space<hbm>>)
    %dma_wait3A_249 = arith.constant 0 : i32
    %dma_wait3A_250 = arith.constant 0 : i32
    %dma_wait3A_251 = tpu.memref_slice %arg4[%select_n3A, %dma_wait3A_249, %add3A_234, %dma_wait3A_250] : memref<2x1x512x512xf32, #tpu.memory_space<hbm>> -> memref<1x1x16x512xf32, #tpu.memory_space<hbm>>
    %dma_wait3A_252 = tpu.memref_squeeze %dma_wait3A_251 : memref<1x1x16x512xf32, #tpu.memory_space<hbm>> -> memref<16x512xf32, #tpu.memory_space<hbm>>
    %dma_wait3A_253 = arith.constant 0 : i32
    %dma_wait3A_254 = tpu.memref_slice %arg4[%select_n3A, %dma_wait3A_249, %add3A_234, %dma_wait3A_253] : memref<2x1x512x512xf32, #tpu.memory_space<hbm>> -> memref<1x1x16x512xf32, #tpu.memory_space<hbm>>
    %dma_wait3A_255 = tpu.memref_squeeze %dma_wait3A_254 : memref<1x1x16x512xf32, #tpu.memory_space<hbm>> -> memref<16x512xf32, #tpu.memory_space<hbm>>
    tpu.wait_dma2 semaphore(%arg14 : memref<!tpu.dma_semaphore, #tpu.memory_space<semaphore_mem>>) src(%arg10 : memref<16x512xf32, #tpu.memory_space<vmem>>) dst(%dma_wait3A_255 : memref<16x512xf32, #tpu.memory_space<hbm>>)
    return
  }
}

module attributes {stable_mosaic.version = 14 : i64} {
  func.func @_tc_body(%arg0: i32, %arg1: i32, %arg2: memref<1x3x256x512xf32, #tpu.memory_space<vmem>>, %arg3: memref<1x1x256x512xi32, #tpu.memory_space<vmem>>, %arg4: memref<1x1x256x512xf32, #tpu.memory_space<vmem>>) attributes {dimension_semantics = [#tpu.dimension_semantics<arbitrary>, #tpu.dimension_semantics<arbitrary>], iteration_bounds = array<i64: 14, 2>, scalar_prefetch = 0 : i64, scratch_operands = 0 : i64, tpu.core_type = #tpu.core_type<tc>, window_params = [{transform_indices = @transform_0, window_bounds = array<i64: 1, 3, 256, 512>}, {transform_indices = @transform_1, window_bounds = array<i64: 1, 1, 256, 512>}, {transform_indices = @transform_2, window_bounds = array<i64: 1, 1, 256, 512>}]} {
    %get3A = arith.constant 0 : index
    %get3A_0 = arith.constant 0 : index
    %get3A_1 = arith.constant 0 : index
    %get3A_2 = arith.constant 0 : index
    %get3A_3 = vector.load %arg2[%get3A, %get3A_0, %get3A_1, %get3A_2] : memref<1x3x256x512xf32, #tpu.memory_space<vmem>>, vector<1x3x256x512xf32>
    %get3A_4 = vector.shape_cast %get3A_3 : vector<1x3x256x512xf32> to vector<3x256x512xf32>
    %get3A_5 = arith.constant 0 : index
    %get3A_6 = arith.constant 0 : index
    %get3A_7 = arith.constant 0 : index
    %get3A_8 = arith.constant 0 : index
    %get3A_9 = vector.load %arg3[%get3A_5, %get3A_6, %get3A_7, %get3A_8] : memref<1x1x256x512xi32, #tpu.memory_space<vmem>>, vector<1x1x256x512xi32>
    %get3A_10 = vector.shape_cast %get3A_9 : vector<1x1x256x512xi32> to vector<256x512xi32>
    %eq3A = arith.constant 0 : i32
    %eq3A_11 = vector.broadcast %eq3A : i32 to vector<256x512xi32>
    %eq3A_12 = arith.cmpi eq, %get3A_10, %eq3A_11 : vector<256x512xi32>
    %slice3A = vector.extract_strided_slice %get3A_4 {offsets = [0, 0, 0], sizes = [1, 256, 512], strides = [1, 1, 1]} : vector<3x256x512xf32> to vector<1x256x512xf32>
    %squeeze3A = vector.shape_cast %slice3A : vector<1x256x512xf32> to vector<256x512xf32>
    %eq3A_13 = arith.constant 1 : i32
    %eq3A_14 = vector.broadcast %eq3A_13 : i32 to vector<256x512xi32>
    %eq3A_15 = arith.cmpi eq, %get3A_10, %eq3A_14 : vector<256x512xi32>
    %slice3A_16 = vector.extract_strided_slice %get3A_4 {offsets = [1, 0, 0], sizes = [1, 256, 512], strides = [1, 1, 1]} : vector<3x256x512xf32> to vector<1x256x512xf32>
    %squeeze3A_17 = vector.shape_cast %slice3A_16 : vector<1x256x512xf32> to vector<256x512xf32>
    %slice3A_18 = vector.extract_strided_slice %get3A_4 {offsets = [2, 0, 0], sizes = [1, 256, 512], strides = [1, 1, 1]} : vector<3x256x512xf32> to vector<1x256x512xf32>
    %squeeze3A_19 = vector.shape_cast %slice3A_18 : vector<1x256x512xf32> to vector<256x512xf32>
    %select_n3A = arith.select %eq3A_15, %squeeze3A_17, %squeeze3A_19 : vector<256x512xi1>, vector<256x512xf32>
    %select_n3A_20 = arith.select %eq3A_12, %squeeze3A, %select_n3A : vector<256x512xi1>, vector<256x512xf32>
    %swap3A = arith.constant 0 : index
    %swap3A_21 = arith.constant 0 : index
    %swap3A_22 = arith.constant 0 : index
    %swap3A_23 = arith.constant 0 : index
    %swap3A_24 = vector.load %arg4[%swap3A, %swap3A_21, %swap3A_22, %swap3A_23] : memref<1x1x256x512xf32, #tpu.memory_space<vmem>>, vector<1x1x256x512xf32>
    %swap3A_25 = vector.shape_cast %swap3A_24 : vector<1x1x256x512xf32> to vector<256x512xf32>
    %swap3A_26 = vector.shape_cast %select_n3A_20 : vector<256x512xf32> to vector<1x1x256x512xf32>
    tpu.vector_store %arg4[%swap3A, %swap3A_21, %swap3A_22, %swap3A_23], %swap3A_26 {strides = array<i32>} : memref<1x1x256x512xf32, #tpu.memory_space<vmem>>, vector<1x1x256x512xf32>,
    return
  }
  func.func @transform_0(%arg0: i32, %arg1: i32) -> (i32, i32, i32, i32) {
    %add3A = arith.constant 2 : i32
    %add3A_0 = arith.addi %add3A, %arg0 : i32
    %c0_i32 = arith.constant 0 : i32
    %c0_i32_1 = arith.constant 0 : i32
    %c0_i32_2 = arith.constant 0 : i32
    return %add3A_0, %c0_i32, %arg1, %c0_i32_1 : i32, i32, i32, i32
  }
  func.func @transform_1(%arg0: i32, %arg1: i32) -> (i32, i32, i32, i32) {
    %add3A = arith.constant 2 : i32
    %add3A_0 = arith.addi %add3A, %arg0 : i32
    %c0_i32 = arith.constant 0 : i32
    %c0_i32_1 = arith.constant 0 : i32
    %c0_i32_2 = arith.constant 0 : i32
    return %add3A_0, %c0_i32, %arg1, %c0_i32_1 : i32, i32, i32, i32
  }
  func.func @transform_2(%arg0: i32, %arg1: i32) -> (i32, i32, i32, i32) {
    %add3A = arith.constant 2 : i32
    %add3A_0 = arith.addi %add3A, %arg0 : i32
    %c0_i32 = arith.constant 0 : i32
    %c0_i32_1 = arith.constant 0 : i32
    %c0_i32_2 = arith.constant 0 : i32
    return %add3A_0, %c0_i32, %arg1, %c0_i32_1 : i32, i32, i32, i32
  }
}

</mosaic_0001>

<sc_bundles>
// kernel: kernel.4.cloned.1.call-start
scs
__scs_entry_jumppad:
0x0: {  	(pc) =	sbr.rel $0x88, $3  }
0x1: {  	(tag) =	ssettag $0x0;
	lr =	simm.s32 $0x1  }
0x2: {  	[smem:$0x3F9F] =	sst lr;
	_ =	strace $0xD0000000  }
0x3: {  	_ = 	snop  }
0x4: {  	_ = 	snop  }
0x5: {  	_ = 	snop  }
0x6: {  	_ = 	snop  }
0x7: {  	_ = 	snop  }
__scs_overlays_trampoline_lowered:
0x8: {  	[smem:$0x3FAE] =	sst s0  }
0x9: {  	[smem:$0x3FAF] =	sst s1  }
0xa: {  	[smem:$0x3FB0] =	sst s2  }
0xb: {  	[smem:$0x3FB1] =	sst s3  }
0xc: {  	[smem:$0x3FB2] =	sst s4  }
0xd: {  	[smem:$0x3FB3] =	sst s5  }
0xe: {  	[smem:$0x3FB4] =	sst s6  }
0xf: {  	[smem:$0x3FB5] =	sst s7  }
0x10: {  	[smem:$0x3FB6] =	sst s8  }
0x11: {  	[smem:$0x3FB7] =	sst s9;
	s0 =	simm.s32 @!p0 $0x0  }
0x12: {  	s1 =	sld [smem:$0x3F9D];
	s0 =	simm.s32 @p0 $0x1  }
0x13: {  	[smem:$0x3FB8] =	sst s0;
	s0 =	simm.s32 @!p1 $0x0  }
0x14: {  	s2 =	sld [smem:$0x3F9C];
	s0 =	simm.s32 @p1 $0x1  }
0x15: {  	[smem:$0x3FB9] =	sst s0;
	s0 =	simm.s32 @!p2 $0x0  }
0x16: {  	s3 =	sld [smem:$0x3FDB];
	s0 =	simm.s32 @p2 $0x1  }
0x17: {  	s4 =	simm.s32 $0x1BF5;
	[smem:$0x3FBB] =	sst s0  }
0x18: {  	s0 =	sld [smem:$0x3F9E];
	_ =	swait.ge [sflag:s4], $0x0  }
0x19: {  	s7 =	sld [smem:$0x3F9F]  }
0x1a: {  	s8 =	sadd.s32 $0xFFFFE003, lr  }
0x1b: {  	s9 =	sadd.s32 $0xFFFFFEF7, lr;
	s5 =	simm.s32 $0xFFFFFFFF;
	p2 =	slt.u32 s8, $0xFFFFF086  }
0x1c: {  	p1 =	slt.u32 s9, $0xF7A;
	s5 =	simm.s32 @!p2 $0x0  }
0x1d: {  	s5 =	simm.s32 @p1 $0x1;
	p0 =	seq.s32 s7, s2  }
0x1e: {  	s7 =	smul.u32 @!p0 $0xF7A, s2;
	p2 =	seq.s32 @!p0 s5, $0x0  }
0x1f: {  	s9 =	smul.u32 $0xF7A, s1;
	s8 =	simm.s32 @!p0 $0x1BF5;
	p2 =	por !p2, p0  }
0x20: {  	[sflag:s8] =	ssyncset.s32 @!p0 $0xFFFFF086;
	s6 =	sadd.s32 @!p0 s3, s7;
	s7 =	simm.s32 @!p0 $0x108  }
0x21: {  	s3 =	sadd.s32 s3, s9;
	s6 =	sadd.s32 @!p0 $0x88, s6;
	s7 =	simm.s32 @p2 $0x1082  }
0x22: {  	[simem:s7], [sflag:s8] =	dma.local @!p0 [hbm:s6], $0xF7A  }
0x23: {  	s9 =	sor.u32 $0xD0000000, s2;
	s6 =	simm.s32 $0x108;
	_ =	swait.ge @!p0 [sflag:s8], $0x0  }
0x24: {  	s3 =	sadd.s32 $0x88, s3;
	s6 =	simm.s32 @!p1 $0x1082;
	[sflag:s4] =	ssyncset.s32 $0xFFFFF086  }
0x25: {  	[simem:s6], [sflag:s4] =	dma.local [hbm:s3], $0xF7A  }
0x26: {  	[smem:$0x3F9F] =	sst s1;
	(tag) =	ssettag s2;
	_ =	strace s9  }
0x27: {  	s1 =	sld [smem:$0x3FAF]  }
0x28: {  	s2 =	sld [smem:$0x3FB0]  }
0x29: {  	s4 =	sld [smem:$0x3FB2]  }
0x2a: {  	p0 =	seq.s32 s5, $0x0;
	s5 =	sld [smem:$0x3FB3]  }
0x2b: {  	s6 =	sld [smem:$0x3FB4]  }
0x2c: {  	s7 =	sld [smem:$0x3FB5]  }
0x2d: {  	s3 =	simm.s32 $0x108;
	s8 =	sld [smem:$0x3FB6]  }
0x2e: {  	s3 =	simm.s32 @!p0 $0x1082;
	s9 =	sld [smem:$0x3FB7]  }
0x2f: {  	lr =	sadd.s32 s0, s3;
	s0 =	sld [smem:$0x3FAE]  }
0x30: {  	s3 =	sld [smem:$0x3FB1]  }
0x31: {  	[smem:$0x3FBA] =	sst s10  }
0x32: {  	s10 =	sld [smem:$0x3FB8];
	_ =	sdelay $0x3  }
0x33: {  	p0 =	seq.s32 s10, $0x1;
	s10 =	sld [smem:$0x3FBA];
	_ =	sdelay $0x3  }
0x34: {  	[smem:$0x3FBA] =	sst s10  }
0x35: {  	s10 =	sld [smem:$0x3FB9];
	_ =	sdelay $0x3  }
0x36: {  	p1 =	seq.s32 s10, $0x1;
	s10 =	sld [smem:$0x3FBA];
	_ =	sdelay $0x3  }
0x37: {  	[smem:$0x3FBA] =	sst s10  }
0x38: {  	s10 =	sld [smem:$0x3FBB]  }
0x39: {  	_ = 	snop;
	(pc) =	sbr.ind lr, $3  }
0x3a: {  	_ = 	snop  }
0x3b: {  	_ = 	snop  }
0x3c: {  	p2 =	seq.s32 s10, $0x1;
	s10 =	sld [smem:$0x3FBA]  }
0x3d: {  	_ =	shalt  }
0x3e: {  	_ =	shalt  }
0x3f: {  	_ =	shalt  }
0x40: {  	_ =	shalt  }
0x41: {  	_ =	shalt  }
0x42: {  	_ =	shalt  }
0x43: {  	_ =	shalt  }
0x44: {  	_ =	shalt  }
0x45: {  	_ =	shalt  }
0x46: {  	_ =	shalt  }
0x47: {  	_ =	shalt  }
0x48: {  	_ =	shalt  }
0x49: {  	_ =	shalt  }
0x4a: {  	_ =	shalt  }
0x4b: {  	_ =	shalt  }
0x4c: {  	_ =	shalt  }
0x4d: {  	_ =	shalt  }
0x4e: {  	_ =	shalt  }
0x4f: {  	_ =	shalt  }
0x50: {  	_ =	shalt  }
0x51: {  	_ =	shalt  }
0x52: {  	_ =	shalt  }
0x53: {  	_ =	shalt  }
0x54: {  	_ =	shalt  }
0x55: {  	_ =	shalt  }
0x56: {  	_ =	shalt  }
0x57: {  	_ =	shalt  }
0x58: {  	_ =	shalt  }
0x59: {  	_ =	shalt  }
0x5a: {  	_ =	shalt  }
0x5b: {  	_ =	shalt  }
0x5c: {  	_ =	shalt  }
0x5d: {  	_ =	shalt  }
0x5e: {  	_ =	shalt  }
0x5f: {  	_ =	shalt  }
0x60: {  	_ =	shalt  }
0x61: {  	_ =	shalt  }
0x62: {  	_ =	shalt  }
0x63: {  	_ =	shalt  }
0x64: {  	_ =	shalt  }
0x65: {  	_ =	shalt  }
0x66: {  	_ =	shalt  }
0x67: {  	_ =	shalt  }
0x68: {  	_ =	shalt  }
0x69: {  	_ =	shalt  }
0x6a: {  	_ =	shalt  }
0x6b: {  	_ =	shalt  }
0x6c: {  	_ =	shalt  }
0x6d: {  	_ =	shalt  }
0x6e: {  	_ =	shalt  }
0x6f: {  	_ =	shalt  }
0x70: {  	_ =	shalt  }
0x71: {  	_ =	shalt  }
0x72: {  	_ =	shalt  }
0x73: {  	_ =	shalt  }
0x74: {  	_ =	shalt  }
0x75: {  	_ =	shalt  }
0x76: {  	_ =	shalt  }
0x77: {  	_ =	shalt  }
0x78: {  	_ =	shalt  }
0x79: {  	_ =	shalt  }
0x7a: {  	_ =	shalt  }
0x7b: {  	_ =	shalt  }
0x7c: {  	_ =	shalt  }
0x7d: {  	_ =	shalt  }
0x7e: {  	_ =	shalt  }
0x7f: {  	_ =	shalt  }
0x80: {  	_ =	shalt  }
0x81: {  	_ =	shalt  }
0x82: {  	_ =	shalt  }
0x83: {  	_ =	shalt  }
0x84: {  	_ =	shalt  }
0x85: {  	_ =	shalt  }
0x86: {  	_ =	shalt  }
0x87: {  	_ =	shalt  }
.Lfunc_end0:
.L_simem_size_0:
called_computation_lowered:
.L_overlay_start_0:
0x88: {  	s2 =	sld [smem:$0x3FD9]  }
0x89: {  	s3 =	sld [smem:$0x3FFE];
	_ =	sdelay $0x1  }
0x8a: {  	s1 =	srdreg.scid  }
0x8b: {  	s0 =	sand.u32 $0x1, s1  }
0x8c: {  	s17 =	sshll.u32 s0, $0xA;
	s2 =	sadd.s32 s3, s2  }
0x8d: {  	s2 =	sadd.s32 s2, s17  }
0x8e: {  	[smem:$0x3FC6] =	sst s2  }
0x8f: {  	_ = 	snop  }
0x90: {  	s2 =	sld [smem:$0x3FC9]  }
0x91: {  	s18 =	sld [smem:$0x3FC8];
	(tm) =	ssettm $0x1  }
0x92: {  	s4 =	sld [smem:$0x3FFB];
	_ =	sdelay $0x3  }
0x93: {  	_ =	strace s4  }
0x94: {  	s4 =	sld [smem:$0x3FFC];
	_ =	sdelay $0x3  }
0x95: {  	_ =	strace s4  }
0x96: {  	s4 =	sld [smem:$0x3FFD];
	_ =	sdelay $0x3  }
0x97: {  	_ =	strace s4  }
0x98: {  	_ =	strace $0x8FFFFFFF  }
0x99: {  	s19 =	sld [smem:$0x3FDB];
	_ =	sdelay $0x1  }
0x9a: {  	s5 =	simm.s32 $_scs_section_size  }
0x9b: {  	s6 =	simm.s32 $_size__tile_overlayer_lowered;
	s7 =	simm.s32 $_tile_overlayer_lowered  }
0x9c: {  	s22 =	simm.s32 $0x1BFF;
	s21 =	sshll.u32 s7, $0x1;
	s4 =	sadd.s32 s5, s19  }
0x9d: {  	s8 =	simm.s32 $0x0;
	s20 =	sshll.u32 s6, $0x1;
	s6 =	sadd.s32 s21, s4  }
0x9e: {  	[timem:s8], [sflag:s22] =	dma.local [hbm:s6], s20  }
0x9f: {  	_ =	swait.ge [sflag:s22], s20  }
0xa0: {  	s5 =	ssub.s32 $0x0, s20;
	[sflag:s22] =	ssyncset.done $0x0  }
0xa1: {  	[sflag:s22] =	ssyncadd.s32 s5;
	_ =	sdelay $0x1  }
0xa2: {  	s23 =	simm.s32 $0x1B8B  }
0xa3: {  	_ =	swait.ge [sflag:s23], $0x1  }
0xa4: {  	[sflag:s23] =	ssyncset.done $0x0  }
0xa5: {  	s25 =	simm.s32 $0x1B8E;
	s24 =	sld [smem:$0x3FFE];
	[sflag:s23] =	ssyncadd.s32 $0xFFFFFFFF  }
0xa6: {  	s26 =	simm.s32 $execute0_lowered;
	[smem:$0x3FD2] =	sst s25  }
0xa7: {  	s6 =	sshll.u32 s26, $0x1;
	_ =	strace $0x80000046;
	[dreg:$0x1] =	wrdreg $0xFFFFFFFF  }
0xa8: {  	s28 =	simm.s32 $_size_execute0_lowered;
	s4 =	sadd.s32 s4, s6;
	[dreg:$0x0] =	wrdreg $0x0  }
0xa9: {  	s6 =	sshll.u32 s28, $0x1;
	[dreg:$0x2] =	wrdreg s4  }
0xaa: {  	[dreg:$0x3] =	wrdreg s6  }
0xab: {  	[dreg:$0x4] =	wrdreg $0xC0  }
0xac: {  	_ =	task [dreg:s8], $0x5FFFF  }
0xad: {  	[dreg:$0x1] =	wrdreg $0xFFFFFFFF  }
0xae: {  	[dreg:$0x0] =	wrdreg $0x60  }
0xaf: {  	[dreg:$0x2] =	wrdreg s2  }
0xb0: {  	[dreg:$0x3] =	wrdreg s18  }
0xb1: {  	[dreg:$0x4] =	wrdreg s24  }
0xb2: {  	[dreg:$0x5] =	wrdreg $0x9  }
0xb3: {  	_ =	task.clear_ibuf [dreg:s8], $0x6FFFF;
	_ =	strace $0x90000046  }
0xb4: {  	s29 =	simm.s32 $0x9;
	_ =	strace $0x80000048  }
0xb5: {  	_ =	swait.ge [sflag:s29], $0x1  }
0xb6: {  	[sflag:s29] =	ssyncadd.s32 $0xFFFFFFFF  }
0xb7: {  	_ =	strace $0x90000048  }
0xb8: {  	_ =	sfence  }
0xb9: {  	s30 =	sld [smem:$0x0];
	_ =	sdelay $0x2  }
0xba: {  	s31 =	sshll.u32 s1, $0xD;
	s1 =	sshrl.u32 s1, $0x2  }
0xbb: {  	s3 =	sand.u32 $0x4000, s31;
	s1 =	sadd.s32 s1, s30  }
0xbc: {  	s0 =	sor.u32 s3, s0;
	s1 =	sshll.u32 s1, $0x11  }
0xbd: {  	s0 =	sor.u32 s1, s0  }
0xbe: {  	s0 =	sadd.s32 $0x8F2B, s0  }
0xbf: {  	[sflag:s0] =	ssyncadd.remote.s32 $0x1  }
0xc0: {  	_ =	sfence.sel $0xFFFF  }
0xc1: {  	[dreg:$0x0] =	wrdreg $0xFFFFFFFF;
	(pc) =	sbr.abs _section_cstart, $3  }
0xc2: {  	[dreg:$0x1] =	wrdreg $0xFFFFFFFF  }
0xc3: {  	_ =	task.clear_ibuf [dreg:s8], $0x2FFFF;
	_ =	strace $0x9FFFFFFF  }
0xc4: {  	(tm) =	ssettm $0x7FFFFFFF  }
0xc5: {  	_ =	shalt  }
tec
execute0_lowered:
.L_overlay_start_1:
0x0: {  	(tag) =	ssettag $0x1  }
0x1: {  	s7 =	rddreg [dreg:$0x0]  }
0x2: {  	s10 =	rddreg [dreg:$0x1]  }
0x3: {  	s3 =	rddreg [dreg:$0x2];
	s0 =	stileid.u32  }
0x4: {  	s2 =	srdreg.scid;
	s16 =	simm.s32 $0xC000;
	s17 =	simm.s32 $0x6000  }
0x5: {  	s18 =	simm.s32 $0x8000;
	s19 =	simm.s32 $0xA000;
	s20 =	simm.s32 $0xE000  }
0x6: {  	s21 =	simm.s32 $0x1;
	s22 =	simm.s32 $0x10000;
	s23 =	simm.s32 $0x2  }
0x7: {  	s24 =	simm.s32 $0x12000;
	s25 =	simm.s32 $0x3;
	s26 =	simm.s32 $0x4  }
0x8: {  	s28 =	simm.s32 $0x0;
	s4 =	sshll.u32 s0, $0x1;
	s5 =	sand.u32 $0x1, s2  }
0x9: {  	s6 =	sshrl.u32 s0, $0x3;
	s2 =	simm.s32 $0x0;
	s12 =	sadd.s32 $0x600, s3  }
0xa: {  	s4 =	sand.u32 $0xE, s4;
	s8 =	smul.u32 $0xC0000, s6;
	[smem:$0x7FF] =	sst s2  }
0xb: {  	s31 =	sshll.u32 s6, $0x12;
	s4 =	sor.u32 s5, s4;
	s5 =	ssub.s32 $0x2, s5  }
0xc: {  	_ =	strace $0x80000047;
	s9 =	sshll.u32 s4, $0xE;
	s29 =	sshrl.u32 s5, $0x1  }
0xd: {  	s11 =	sor.u32 s8, s9;
	s13 =	ssub.s32 s5, s29;
	s14 =	sor.u32 $0x2000, s9  }
0xe: {  	s6 =	sor.u32 s31, s9;
	s30 =	sshrl.u32 s11, $0x3;
	s8 =	sor.u32 s8, s14  }
0xf: {  	s15 =	sshrl.u32 s6, $0x3;
	s11 =	sor.u32 s31, s14;
	s13 =	smax.u32 s13, $0x1  }
0x10: {  	v1 =	vimm.s32 $0x0;
	vm0 =	vcmask $0x300;
	v0 =	vlaneseq.u32;
	s3 =	sadd.s32 s7, s30;
	s8 =	sshrl.u32 s8, $0x3;
	s6 =	sadd.s32 s10, s15  }
0x11: {  	v1 =	vsel vm0, $0xA, v1;
	v2 =	vor.u32 $0x10, v0;
	s14 =	sshrl.u32 s11, $0x3;
	s11 =	sadd.s32 s12, s15;
	s4 =	sadd.s32 $0x8000, s3  }
0x12: {  	v3 =	vor.u32 $0x20, v0;
	v4 =	vor.u32 $0x30, v0;
	v5 =	vor.u32 $0x40, v0;
	s5 =	sadd.s32 $0x10000, s3;
	s7 =	sadd.s32 s7, s8;
	s10 =	sadd.s32 s10, s14  }
0x13: {  	v6 =	vor.u32 $0x50, v0;
	v7 =	vor.u32 $0x60, v0;
	v8 =	vor.u32 $0x70, v0;
	s12 =	sadd.s32 s12, s14;
	s8 =	sadd.s32 $0x8000, s7;
	s9 =	sadd.s32 $0x10000, s7  }
.LBB2_1:
0x14: {  	[tilespmem:s2], [sflag:$0x1] =	stream.linear.gather [hbm4b:s3+s2], $0x2000, $0x38;
	[tilespmem:$0x14000] =	vst v63  }
0x15: {  	s0 =	simm.s32 $0x2000  }
0x16: {  	[tilespmem:s0], [sflag:$0x1] =	stream.linear.gather [hbm4b:s4+s2], $0x2000, $0x38;
	[tilespmem:$0x14000] =	vst v63  }
0x17: {  	s14 =	simm.s32 $0x4000  }
0x18: {  	[tilespmem:s14], [sflag:$0x1] =	stream.linear.gather [hbm4b:s5+s2], $0x2000, $0x38;
	[tilespmem:$0x14000] =	vst v63  }
0x19: {  	_ = 	snop  }
0x1a: {  	[tilespmem:s16], [sflag:$0x1] =	stream.linear.gather [hbm4b:s6+s2], $0x2000, $0x38;
	[tilespmem:$0x14000] =	vst v63  }
0x1b: {  	_ = 	snop  }
0x1c: {  	[tilespmem:s17], [sflag:$0x2] =	stream.linear.gather [hbm4b:s7+s2], $0x2000, $0x38;
	[tilespmem:$0x14000] =	vst v63  }
0x1d: {  	_ = 	snop  }
0x1e: {  	[tilespmem:s18], [sflag:$0x2] =	stream.linear.gather [hbm4b:s8+s2], $0x2000, $0x38;
	[tilespmem:$0x14000] =	vst v63  }
0x1f: {  	_ = 	snop  }
0x20: {  	[tilespmem:s19], [sflag:$0x2] =	stream.linear.gather [hbm4b:s9+s2], $0x2000, $0x38;
	[tilespmem:$0x14000] =	vst v63  }
0x21: {  	_ = 	snop  }
0x22: {  	[tilespmem:s20], [sflag:$0x2] =	stream.linear.gather [hbm4b:s10+s2], $0x2000, $0x38;
	[tilespmem:$0x14000] =	vst v63  }
0x23: {  	_ =	swait.ge [sflag:s21], $0x2000  }
0x24: {  	[sflag:s21] =	ssyncset.done $0x0  }
0x25: {  	[sflag:s21] =	ssyncadd.s32 $0xFFFFE000  }
0x26: {  	_ =	swait.ge [sflag:s21], $0x2000  }
0x27: {  	[sflag:s21] =	ssyncset.done $0x0  }
0x28: {  	[sflag:s21] =	ssyncadd.s32 $0xFFFFE000  }
0x29: {  	_ =	swait.ge [sflag:s21], $0x2000  }
0x2a: {  	s29 =	simm.s32 $0x0;
	[sflag:s21] =	ssyncset.done $0x0  }
0x2b: {  	s15 =	simm.s32 $0x0;
	s30 =	sand.u32 $0x180, s29;
	[sflag:s21] =	ssyncadd.s32 $0xFFFFE000  }
0x2c: {  	s29 =	sand.u32 $0x1000, s29;
	s31 =	sshll.u32 s30, $0x3;
	_ =	swait.ge [sflag:s21], $0x2000  }
0x2d: {  	s0 =	sand.u32 $0x380, s15;
	s29 =	sor.u32 s29, s31;
	[sflag:s21] =	ssyncset.done $0x0  }
0x2e: {  	s31 =	simm.s32 $0x0;
	s29 =	sor.u32 s0, s29;
	[sflag:s21] =	ssyncadd.s32 $0xFFFFE000  }
0x2f: {  	v10 =	vmov s30;
	v11 =	vmov s31;
	v9 =	vld [tilespmem:s29+$0xC000]  }
0x30: {  	v10 =	vshrl.u32 v10, $0x7;
	v12 =	vshll.u32 v11, $0x9  }
0x31: {  	v10 =	vshll.u32 v10, v1;
	v12 =	vand.u32 $0x1000, v12  }
0x32: {  	v10 =	vor.u32 v10, v12  }
0x33: {  	v14 =	vbroadcast v10, $0x0;
	v13 =	vld [tilespmem:s29+$0xC010]  }
0x34: {  	v11 =	vshll.u32 v11, $0x7;
	v12 =	vld [tilespmem:s29+$0xC020];
	v9 =	vshll.u32 v9, $0xD  }
0x35: {  	v11 =	vand.u32 $0x380, v11;
	v15 =	vld [tilespmem:s29+$0xC030];
	v9 =	vor.u32 v14, v9  }
0x36: {  	s31 =	simm.s32 $0x80;
	v16 =	vld [tilespmem:s29+$0xC040];
	v9 =	vor.u32 v11, v9  }
0x37: {  	s0 =	sand.u32 $0x180, s31;
	v17 =	vld [tilespmem:s29+$0xC060];
	v9 =	vor.u32 v0, v9  }
0x38: {  	s15 =	simm.s32 $0x0;
	v18 =	vmov s0  }
0x39: {  	v19 =	vmov s15;
	v18 =	vshrl.u32 v18, $0x7;
	v10 =	vor.u32 v11, v10  }
0x3a: {  	s14 =	simm.s32 $0x20;
	v21 =	vshll.u32 v19, $0x9;
	s30 =	sand.u32 $0x1000, s31;
	s1 =	sshll.u32 s0, $0x3;
	v18 =	vshll.u32 v18, v1;
	v10 =	vbroadcast v10, $0x0;
	v14 =	vld [tilespmem:s29+$0xC050]  }
0x3b: {  	s14 =	sand.u32 $0x380, s14;
	s1 =	sor.u32 s30, s1;
	v12 =	vshll.u32 v12, $0xD;
	v15 =	vshll.u32 v15, $0xD;
	v11 =	vshll.u32 v13, $0xD;
	v13 =	vld [tilespmem:s29+$0xC070]  }
0x3c: {  	s30 =	sor.u32 s14, s1;
	v16 =	vshll.u32 v16, $0xD;
	v17 =	vshll.u32 v17, $0xD;
	v12 =	vor.u32 v12, v10;
	v20 =	vld.idx.msk [tilespmem:v9+s2+$0x0], $0xffff  }
0x3d: {  	v15 =	vor.u32 v15, v10;
	v16 =	vor.u32 v16, v10;
	v9 =	vor.u32 v17, v10;
	v17 =	vld [tilespmem:s30+$0xC000]  }
0x3e: {  	v22 =	vld [tilespmem:s30+$0xC010];
	v25 =	vor.u32 v3, v12;
	v27 =	vor.u32 v4, v15;
	v11 =	vor.u32 v11, v10  }
0x3f: {  	v26 =	vld [tilespmem:s30+$0xC030];
	v12 =	vor.u32 v5, v16;
	v23 =	vor.u32 v2, v11;
	v11 =	vand.u32 $0x1000, v21  }
0x40: {  	v28 =	vld [tilespmem:s30+$0xC040];
	v16 =	vshll.u32 v19, $0x7;
	v24 =	vor.u32 v18, v11;
	v14 =	vshll.u32 v14, $0xD  }
0x41: {  	v21 =	vld [tilespmem:s30+$0xC020];
	v15 =	vbroadcast v24, $0x0;
	v14 =	vor.u32 v14, v10;
	v13 =	vshll.u32 v13, $0xD  }
0x42: {  	v29 =	vld [tilespmem:s30+$0xC050];
	v13 =	vor.u32 v13, v10;
	v11 =	vor.u32 v6, v14;
	v14 =	vshll.u32 v17, $0xD  }
0x43: {  	v18 =	vld [tilespmem:s30+$0xC060];
	v10 =	vor.u32 v7, v9;
	v14 =	vor.u32 v15, v14;
	v15 =	vand.u32 $0x380, v16  }
0x44: {  	v9 =	vor.u32 v8, v13;
	v17 =	vld [tilespmem:s30+$0xC070];
	v13 =	vor.u32 v15, v14;
	v14 =	vor.u32 v15, v24  }
0x45: {  	v22 =	vshll.u32 v22, $0xD;
	v16 =	vld.idx.msk [tilespmem:v23+s2+$0x0], $0xffff;
	v15 =	vbroadcast v14, $0x0;
	v19 =	vor.u32 v0, v13  }
0x46: {  	v30 =	vshll.u32 v21, $0xD;
	v23 =	vshll.u32 v26, $0xD;
	v24 =	vshll.u32 v28, $0xD;
	v13 =	vld.idx.msk [tilespmem:v25+s2+$0x0], $0xffff  }
0x47: {  	[tilespmem:s29+$0x10000] =	vst v20;
	v14 =	vld.idx.msk [tilespmem:v27+s2+$0x0], $0xffff;
	v21 =	vor.u32 v22, v15;
	v20 =	vor.u32 v30, v15;
	v22 =	vshll.u32 v29, $0xD  }
.LBB2_2:
0x48: {  	s31 =	sadd.s32 $0x80, s31;
	v23 =	vor.u32 v23, v15;
	v24 =	vor.u32 v24, v15;
	v18 =	vshll.u32 v18, $0xD;
	v25 =	vld.idx.msk [tilespmem:v12+s2+$0x0], $0xffff  }
0x49: {  	v22 =	vor.u32 v22, v15;
	s0 =	sand.u32 $0x180, s31;
	p0 =	slt.u32 s31, $0x1F80;
	v18 =	vor.u32 v18, v15;
	v12 =	vshll.u32 v17, $0xD;
	v17 =	vld.idx.msk [tilespmem:v11+s2+$0x0], $0xffff  }
0x4a: {  	v21 =	vor.u32 v2, v21;
	v20 =	vor.u32 v3, v20;
	s1 =	sand.u32 $0x1000, s31;
	s15 =	sshrl.u32 s31, $0x2;
	s14 =	sshll.u32 s0, $0x3;
	v19 =	vld.idx.msk [tilespmem:v19+s2+$0x0], $0xffff;
	v15 =	vor.u32 v12, v15  }
0x4b: {  	v26 =	vor.u32 v4, v23;
	v11 =	vor.u32 v6, v22;
	v12 =	vor.u32 v5, v24;
	s1 =	sor.u32 s1, s14;
	s14 =	sand.u32 $0x380, s15;
	v22 =	vld.idx.msk [tilespmem:v10+s2+$0x0], $0xffff  }
0x4c: {  	s15 =	sshrl.u32 s31, $0x9;
	v10 =	vor.u32 v7, v18;
	s1 =	sor.u32 s14, s1;
	[tilespmem:s29+$0x10010] =	vst v16;
	v16 =	vld.idx.msk [tilespmem:v9+s2+$0x0], $0xffff;
	v9 =	vor.u32 v8, v15  }
0x4d: {  	v18 =	vmov s0;
	v23 =	vmov s15;
	v15 =	vld [tilespmem:s1+$0xC000];
	[tilespmem:s29+$0x10020] =	vst v13  }
0x4e: {  	v13 =	vshrl.u32 v18, $0x7;
	v18 =	vshll.u32 v23, $0x9;
	v24 =	vld [tilespmem:s1+$0xC010];
	[tilespmem:s29+$0x10030] =	vst v14  }
0x4f: {  	v14 =	vand.u32 $0x1000, v18;
	v13 =	vshll.u32 v13, v1;
	v27 =	vld [tilespmem:s1+$0xC020];
	[tilespmem:s29+$0x10040] =	vst v25  }
0x50: {  	v13 =	vor.u32 v13, v14;
	v14 =	vld [tilespmem:s1+$0xC030];
	[tilespmem:s30+$0x10000] =	vst v19  }
0x51: {  	v18 =	vbroadcast v13, $0x0;
	v25 =	vld [tilespmem:s1+$0xC040];
	[tilespmem:s29+$0x10050] =	vst v17  }
0x52: {  	v17 =	vshll.u32 v23, $0x7;
	v15 =	vshll.u32 v15, $0xD;
	v28 =	vld [tilespmem:s1+$0xC050];
	[tilespmem:s29+$0x10060] =	vst v22  }
.Ltmp0:
0x53: {  	v17 =	vand.u32 $0x380, v17;
	v15 =	vor.u32 v18, v15;
	v22 =	vshll.u32 v24, $0xD;
	v18 =	vld [tilespmem:s1+$0xC060];
	[tilespmem:s29+$0x10070] =	vst v16;
	s29 =	smov.u32 s30;
	s30 =	smov.u32 s1;
	(pc) =	sbr.rel @p0 .LBB2_2-.Ltmp0, $4  }
0x54: {  	v13 =	vor.u32 v17, v13;
	v15 =	vor.u32 v17, v15;
	v27 =	vshll.u32 v27, $0xD;
	v17 =	vld [tilespmem:s30+$0xC070]  }
0x55: {  	v19 =	vor.u32 v0, v15;
	v15 =	vbroadcast v13, $0x0;
	v23 =	vshll.u32 v14, $0xD;
	v16 =	vld.idx.msk [tilespmem:v21+s2+$0x0], $0xffff  }
0x56: {  	v24 =	vshll.u32 v25, $0xD;
	v13 =	vld.idx.msk [tilespmem:v20+s2+$0x0], $0xffff  }
0x57: {  	v21 =	vor.u32 v22, v15;
	v20 =	vor.u32 v27, v15;
	v22 =	vshll.u32 v28, $0xD;
	v14 =	vld.idx.msk [tilespmem:v26+s2+$0x0], $0xffff  }
0x58: {  	_ =	sdelay $0x3  }
0x59: {  	v12 =	vld.idx.msk [tilespmem:v12+s2+$0x0], $0xffff;
	v21 =	vor.u32 v2, v21  }
0x5a: {  	v23 =	vor.u32 v23, v15;
	v19 =	vld.idx.msk [tilespmem:v19+s2+$0x0], $0xffff;
	v20 =	vor.u32 v3, v20  }
0x5b: {  	v24 =	vor.u32 v24, v15;
	v11 =	vld.idx.msk [tilespmem:v11+s2+$0x0], $0xffff;
	v23 =	vor.u32 v4, v23;
	[tilespmem:s29+$0x10010] =	vst v16  }
0x5c: {  	v10 =	vld.idx.msk [tilespmem:v10+s2+$0x0], $0xffff;
	v16 =	vshll.u32 v18, $0xD;
	v18 =	vor.u32 v22, v15;
	v22 =	vor.u32 v5, v24;
	[tilespmem:s29+$0x10020] =	vst v13  }
0x5d: {  	v9 =	vld.idx.msk [tilespmem:v9+s2+$0x0], $0xffff;
	v13 =	vor.u32 v16, v15;
	v16 =	vshll.u32 v17, $0xD;
	v17 =	vor.u32 v6, v18;
	[tilespmem:s29+$0x10030] =	vst v14  }
0x5e: {  	v14 =	vor.u32 v16, v15;
	v13 =	vor.u32 v7, v13;
	[tilespmem:s29+$0x10040] =	vst v12;
	v12 =	vld.idx.msk [tilespmem:v21+s2+$0x0], $0xffff  }
0x5f: {  	v14 =	vor.u32 v8, v14;
	[tilespmem:s30+$0x10000] =	vst v19;
	v15 =	vld.idx.msk [tilespmem:v20+s2+$0x0], $0xffff  }
0x60: {  	[tilespmem:s29+$0x10050] =	vst v11;
	v11 =	vld.idx.msk [tilespmem:v23+s2+$0x0], $0xffff  }
0x61: {  	[tilespmem:s29+$0x10060] =	vst v10;
	v10 =	vld.idx.msk [tilespmem:v22+s2+$0x0], $0xffff  }
0x62: {  	[tilespmem:s29+$0x10070] =	vst v9;
	v9 =	vld.idx.msk [tilespmem:v17+s2+$0x0], $0xffff  }
0x63: {  	v13 =	vld.idx.msk [tilespmem:v13+s2+$0x0], $0xffff;
	[tilespmem:s30+$0x10010] =	vst v12  }
0x64: {  	v12 =	vld.idx.msk [tilespmem:v14+s2+$0x0], $0xffff;
	[tilespmem:s30+$0x10020] =	vst v15  }
0x65: {  	[tilespmem:s30+$0x10030] =	vst v11  }
0x66: {  	[tilespmem:s30+$0x10040] =	vst v10  }
0x67: {  	[tilespmem:s30+$0x10050] =	vst v9  }
0x68: {  	[tilespmem:s30+$0x10060] =	vst v13  }
0x69: {  	[tilespmem:s30+$0x10070] =	vst v12  }
0x6a: {  	[hbm4b:s11+s2] =	stream.linear.scatter [tilespmem:s22], [sflag:$0x3], $0x2000, $0x38;
	[tilespmem:$0x14000] =	vst v63  }
0x6b: {  	_ =	swait.ge [sflag:s23], $0x2000  }
0x6c: {  	[sflag:s23] =	ssyncset.done $0x0  }
0x6d: {  	[sflag:s23] =	ssyncadd.s32 $0xFFFFE000  }
0x6e: {  	_ =	swait.ge [sflag:s23], $0x2000  }
0x6f: {  	[sflag:s23] =	ssyncset.done $0x0  }
0x70: {  	[sflag:s23] =	ssyncadd.s32 $0xFFFFE000  }
0x71: {  	_ =	swait.ge [sflag:s23], $0x2000  }
0x72: {  	s0 =	simm.s32 $0x0;
	[sflag:s23] =	ssyncset.done $0x0  }
0x73: {  	s15 =	simm.s32 $0x0;
	s1 =	sand.u32 $0x180, s0;
	[sflag:s23] =	ssyncadd.s32 $0xFFFFE000  }
0x74: {  	s0 =	sand.u32 $0x1000, s0;
	s14 =	sshll.u32 s1, $0x3;
	_ =	swait.ge [sflag:s23], $0x2000  }
0x75: {  	s0 =	sor.u32 s0, s14;
	s14 =	sand.u32 $0x380, s15;
	[sflag:s23] =	ssyncset.done $0x0  }
0x76: {  	s15 =	simm.s32 $0x0;
	s29 =	sor.u32 s14, s0;
	[sflag:s23] =	ssyncadd.s32 $0xFFFFE000  }
0x77: {  	v11 =	vmov s15;
	v10 =	vmov s1;
	v9 =	vld [tilespmem:s29+$0xE000]  }
0x78: {  	v10 =	vshrl.u32 v10, $0x7;
	v12 =	vshll.u32 v11, $0x9  }
0x79: {  	v10 =	vshll.u32 v10, v1;
	v12 =	vand.u32 $0x1000, v12  }
0x7a: {  	v10 =	vor.u32 v10, v12  }
0x7b: {  	v14 =	vbroadcast v10, $0x0;
	v13 =	vld [tilespmem:s29+$0xE010]  }
0x7c: {  	v11 =	vshll.u32 v11, $0x7;
	v12 =	vld [tilespmem:s29+$0xE020];
	v9 =	vshll.u32 v9, $0xD  }
0x7d: {  	s31 =	simm.s32 $0x80;
	v11 =	vand.u32 $0x380, v11;
	v15 =	vld [tilespmem:s29+$0xE030];
	v9 =	vor.u32 v14, v9  }
0x7e: {  	s0 =	sand.u32 $0x180, s31;
	v16 =	vld [tilespmem:s29+$0xE040];
	v9 =	vor.u32 v11, v9  }
0x7f: {  	s14 =	sshll.u32 s0, $0x3;
	s15 =	simm.s32 $0x20;
	s1 =	sand.u32 $0x1000, s31;
	v17 =	vld [tilespmem:s29+$0xE060];
	v9 =	vor.u32 v0, v9  }
0x80: {  	v18 =	vmov s0;
	s1 =	sor.u32 s1, s14;
	s14 =	sand.u32 $0x380, s15;
	s15 =	simm.s32 $0x0  }
0x81: {  	v18 =	vshrl.u32 v18, $0x7;
	v19 =	vmov s15;
	v10 =	vor.u32 v11, v10  }
0x82: {  	v18 =	vshll.u32 v18, v1;
	v21 =	vshll.u32 v19, $0x9;
	v10 =	vbroadcast v10, $0x0;
	v14 =	vld [tilespmem:s29+$0xE050]  }
0x83: {  	v12 =	vshll.u32 v12, $0xD;
	v15 =	vshll.u32 v15, $0xD;
	v11 =	vshll.u32 v13, $0xD;
	v13 =	vld [tilespmem:s29+$0xE070]  }
0x84: {  	s30 =	sor.u32 s14, s1;
	v16 =	vshll.u32 v16, $0xD;
	v17 =	vshll.u32 v17, $0xD;
	v12 =	vor.u32 v12, v10;
	v20 =	vld.idx.msk [tilespmem:v9+s17+$0x0], $0xffff  }
0x85: {  	v15 =	vor.u32 v15, v10;
	v16 =	vor.u32 v16, v10;
	v9 =	vor.u32 v17, v10;
	v17 =	vld [tilespmem:s30+$0xE000]  }
0x86: {  	v22 =	vld [tilespmem:s30+$0xE010];
	v25 =	vor.u32 v3, v12;
	v27 =	vor.u32 v4, v15;
	v11 =	vor.u32 v11, v10  }
0x87: {  	v26 =	vld [tilespmem:s30+$0xE030];
	v12 =	vor.u32 v5, v16;
	v23 =	vor.u32 v2, v11;
	v11 =	vand.u32 $0x1000, v21  }
0x88: {  	v28 =	vld [tilespmem:s30+$0xE040];
	v16 =	vshll.u32 v19, $0x7;
	v24 =	vor.u32 v18, v11;
	v14 =	vshll.u32 v14, $0xD  }
0x89: {  	v21 =	vld [tilespmem:s30+$0xE020];
	v15 =	vbroadcast v24, $0x0;
	v14 =	vor.u32 v14, v10;
	v13 =	vshll.u32 v13, $0xD  }
0x8a: {  	v29 =	vld [tilespmem:s30+$0xE050];
	v13 =	vor.u32 v13, v10;
	v11 =	vor.u32 v6, v14;
	v14 =	vshll.u32 v17, $0xD  }
0x8b: {  	v18 =	vld [tilespmem:s30+$0xE060];
	v10 =	vor.u32 v7, v9;
	v14 =	vor.u32 v15, v14;
	v15 =	vand.u32 $0x380, v16  }
0x8c: {  	v9 =	vor.u32 v8, v13;
	v17 =	vld [tilespmem:s30+$0xE070];
	v13 =	vor.u32 v15, v14;
	v14 =	vor.u32 v15, v24  }
0x8d: {  	v22 =	vshll.u32 v22, $0xD;
	v16 =	vld.idx.msk [tilespmem:v23+s17+$0x0], $0xffff;
	v15 =	vbroadcast v14, $0x0;
	v19 =	vor.u32 v0, v13  }
0x8e: {  	v30 =	vshll.u32 v21, $0xD;
	v23 =	vshll.u32 v26, $0xD;
	v24 =	vshll.u32 v28, $0xD;
	v13 =	vld.idx.msk [tilespmem:v25+s17+$0x0], $0xffff  }
0x8f: {  	[tilespmem:s29+$0x12000] =	vst v20;
	v14 =	vld.idx.msk [tilespmem:v27+s17+$0x0], $0xffff;
	v21 =	vor.u32 v22, v15;
	v20 =	vor.u32 v30, v15;
	v22 =	vshll.u32 v29, $0xD  }
.LBB2_4:
0x90: {  	s31 =	sadd.s32 $0x80, s31;
	v23 =	vor.u32 v23, v15;
	v24 =	vor.u32 v24, v15;
	v18 =	vshll.u32 v18, $0xD;
	v25 =	vld.idx.msk [tilespmem:v12+s17+$0x0], $0xffff  }
0x91: {  	v22 =	vor.u32 v22, v15;
	s0 =	sand.u32 $0x180, s31;
	p0 =	slt.u32 s31, $0x1F80;
	v18 =	vor.u32 v18, v15;
	v12 =	vshll.u32 v17, $0xD;
	v17 =	vld.idx.msk [tilespmem:v11+s17+$0x0], $0xffff  }
0x92: {  	v21 =	vor.u32 v2, v21;
	v20 =	vor.u32 v3, v20;
	s1 =	sand.u32 $0x1000, s31;
	s15 =	sshrl.u32 s31, $0x2;
	s14 =	sshll.u32 s0, $0x3;
	v19 =	vld.idx.msk [tilespmem:v19+s17+$0x0], $0xffff;
	v15 =	vor.u32 v12, v15  }
0x93: {  	v26 =	vor.u32 v4, v23;
	v11 =	vor.u32 v6, v22;
	v12 =	vor.u32 v5, v24;
	s1 =	sor.u32 s1, s14;
	s14 =	sand.u32 $0x380, s15;
	v22 =	vld.idx.msk [tilespmem:v10+s17+$0x0], $0xffff  }
0x94: {  	s15 =	sshrl.u32 s31, $0x9;
	v10 =	vor.u32 v7, v18;
	s1 =	sor.u32 s14, s1;
	[tilespmem:s29+$0x12010] =	vst v16;
	v16 =	vld.idx.msk [tilespmem:v9+s17+$0x0], $0xffff;
	v9 =	vor.u32 v8, v15  }
0x95: {  	v18 =	vmov s0;
	v23 =	vmov s15;
	v15 =	vld [tilespmem:s1+$0xE000];
	[tilespmem:s29+$0x12020] =	vst v13  }
0x96: {  	v13 =	vshrl.u32 v18, $0x7;
	v18 =	vshll.u32 v23, $0x9;
	v24 =	vld [tilespmem:s1+$0xE010];
	[tilespmem:s29+$0x12030] =	vst v14  }
0x97: {  	v14 =	vand.u32 $0x1000, v18;
	v13 =	vshll.u32 v13, v1;
	v27 =	vld [tilespmem:s1+$0xE020];
	[tilespmem:s29+$0x12040] =	vst v25  }
0x98: {  	v13 =	vor.u32 v13, v14;
	v14 =	vld [tilespmem:s1+$0xE030];
	[tilespmem:s30+$0x12000] =	vst v19  }
0x99: {  	v18 =	vbroadcast v13, $0x0;
	v25 =	vld [tilespmem:s1+$0xE040];
	[tilespmem:s29+$0x12050] =	vst v17  }
0x9a: {  	v17 =	vshll.u32 v23, $0x7;
	v15 =	vshll.u32 v15, $0xD;
	v28 =	vld [tilespmem:s1+$0xE050];
	[tilespmem:s29+$0x12060] =	vst v22  }
.Ltmp1:
0x9b: {  	v17 =	vand.u32 $0x380, v17;
	v15 =	vor.u32 v18, v15;
	v22 =	vshll.u32 v24, $0xD;
	v18 =	vld [tilespmem:s1+$0xE060];
	[tilespmem:s29+$0x12070] =	vst v16;
	s29 =	smov.u32 s30;
	s30 =	smov.u32 s1;
	(pc) =	sbr.rel @p0 .LBB2_4-.Ltmp1, $4  }
0x9c: {  	v13 =	vor.u32 v17, v13;
	v15 =	vor.u32 v17, v15;
	v27 =	vshll.u32 v27, $0xD;
	v17 =	vld [tilespmem:s30+$0xE070]  }
0x9d: {  	v19 =	vor.u32 v0, v15;
	v15 =	vbroadcast v13, $0x0;
	v23 =	vshll.u32 v14, $0xD;
	v16 =	vld.idx.msk [tilespmem:v21+s17+$0x0], $0xffff  }
0x9e: {  	v24 =	vshll.u32 v25, $0xD;
	v13 =	vld.idx.msk [tilespmem:v20+s17+$0x0], $0xffff  }
0x9f: {  	v21 =	vor.u32 v22, v15;
	v20 =	vor.u32 v27, v15;
	v22 =	vshll.u32 v28, $0xD;
	v14 =	vld.idx.msk [tilespmem:v26+s17+$0x0], $0xffff  }
0xa0: {  	_ =	sdelay $0x3  }
0xa1: {  	v12 =	vld.idx.msk [tilespmem:v12+s17+$0x0], $0xffff;
	v21 =	vor.u32 v2, v21  }
0xa2: {  	v23 =	vor.u32 v23, v15;
	v19 =	vld.idx.msk [tilespmem:v19+s17+$0x0], $0xffff;
	v20 =	vor.u32 v3, v20  }
0xa3: {  	v24 =	vor.u32 v24, v15;
	v11 =	vld.idx.msk [tilespmem:v11+s17+$0x0], $0xffff;
	v23 =	vor.u32 v4, v23;
	[tilespmem:s29+$0x12010] =	vst v16  }
0xa4: {  	v54 =	vshll.u32 v18, $0xD;
	v55 =	vor.u32 v22, v15;
	v10 =	vld.idx.msk [tilespmem:v10+s17+$0x0], $0xffff;
	v56 =	vor.u32 v5, v24;
	[tilespmem:s29+$0x12020] =	vst v13  }
0xa5: {  	v9 =	vld.idx.msk [tilespmem:v9+s17+$0x0], $0xffff;
	v57 =	vor.u32 v54, v15;
	v58 =	vshll.u32 v17, $0xD;
	v59 =	vor.u32 v6, v55;
	[tilespmem:s29+$0x12030] =	vst v14  }
0xa6: {  	v60 =	vor.u32 v58, v15;
	v13 =	vor.u32 v7, v57;
	[tilespmem:s29+$0x12040] =	vst v12;
	v61 =	vld.idx.msk [tilespmem:v21+s17+$0x0], $0xffff  }
0xa7: {  	v14 =	vor.u32 v8, v60;
	[tilespmem:s30+$0x12000] =	vst v19;
	v62 =	vld.idx.msk [tilespmem:v20+s17+$0x0], $0xffff  }
0xa8: {  	[tilespmem:s29+$0x12050] =	vst v11;
	v11 =	vld.idx.msk [tilespmem:v23+s17+$0x0], $0xffff  }
0xa9: {  	[tilespmem:s29+$0x12060] =	vst v10;
	v10 =	vld.idx.msk [tilespmem:v56+s17+$0x0], $0xffff  }
0xaa: {  	[tilespmem:s29+$0x12070] =	vst v9;
	v9 =	vld.idx.msk [tilespmem:v59+s17+$0x0], $0xffff  }
0xab: {  	v13 =	vld.idx.msk [tilespmem:v13+s17+$0x0], $0xffff;
	[tilespmem:s30+$0x12010] =	vst v61  }
0xac: {  	v63 =	vld.idx.msk [tilespmem:v14+s17+$0x0], $0xffff;
	[tilespmem:s30+$0x12020] =	vst v62  }
0xad: {  	[tilespmem:s30+$0x12030] =	vst v11  }
0xae: {  	[tilespmem:s30+$0x12040] =	vst v10  }
0xaf: {  	[tilespmem:s30+$0x12050] =	vst v9  }
0xb0: {  	[tilespmem:s30+$0x12060] =	vst v13  }
0xb1: {  	s28 =	sadd.s32 $0x1, s28;
	[tilespmem:s30+$0x12070] =	vst v63  }
0xb2: {  	[hbm4b:s12+s2] =	stream.linear.scatter [tilespmem:s24], [sflag:$0x4], $0x2000, $0x38;
	[tilespmem:$0x14000] =	vst v63  }
0xb3: {  	p0 =	sne.s32 s28, s13;
	_ =	swait.ge [sflag:s25], $0x2000  }
.Ltmp2:
0xb4: {  	[sflag:s25] =	ssyncset.done $0x0;
	(pc) =	sbr.rel @p0 .LBB2_1-.Ltmp2, $4  }
0xb5: {  	[sflag:s25] =	ssyncadd.s32 $0xFFFFE000  }
0xb6: {  	_ =	swait.ge [sflag:s26], $0x2000  }
0xb7: {  	[sflag:s26] =	ssyncset.done $0x0  }
0xb8: {  	[sflag:s26] =	ssyncadd.s32 $0xFFFFE000  }
0xb9: {  	_ =	sfence.sel $0x180000  }
0xba: {  	[bflag:$0x0] =	sbarrier.arrive $0xFFFF  }
0xbb: {  	_ =	strace $0x90000047  }
0xbc: {  	s0 =	stileid.u32;
	[bflag:$0x2] =	sbarrier.arrive $0xFFFF  }
0xbd: {  	p0 =	sne.s32 s0, $0x0;
	s0 =	rddreg [dreg:$0x3]  }
0xbe: {  	s0 =	sadd.s32 @!p0 $0x100000, s0  }
0xbf: {  	[sflag:s0] =	ssyncadd.tile.s32 @!p0 $0x1;
	_ =	shalt  }
.Lfunc_end2:
_tile_overlayer_lowered:
.L_overlay_start_2:
0xc0: {  	(tag) =	ssettag $0x2  }
0xc1: {  	s0 =	rddreg [dreg:$0x0];
	s2 =	stileid.u32  }
0xc2: {  	s1 =	rddreg [dreg:$0x1];
	p0 =	sne.s32 s2, $0x0  }
0xc3: {  	s3 =	rddreg [dreg:$0x2];
	[bflag:$0x3] =	sbarrier.arrive $0xFFFF;
	s2 =	simm.s32 @!p0 $0x1C05  }
0xc4: {  	[timem:s3], [sflag:s2] =	dma.local @!p0 [hbm:s0], s1  }
0xc5: {  	s0 =	simm.s32 @!p0 $0x5  }
0xc6: {  	_ =	swait.ge @!p0 [sflag:s0], s1  }
0xc7: {  	s1 =	ssub.s32 @!p0 $0x0, s1;
	[sflag:s0] =	ssyncset.done @!p0 $0x0  }
0xc8: {  	[sflag:s0] =	ssyncadd.s32 @!p0 s1  }
0xc9: {  	[bflag:$0x3] =	sbarrier.arrive $0xFFFF  }
0xca: {  	_ =	shalt  }

</sc_bundles>
